<compile_context>
chip_gen: v7x
topology: tpu7x:2x2x1
jax: 0.10.2.dev20260603
libtpu: 0.0.44.dev20260713+nightly
codegen_flags: <defaults>
</compile_context>

<pallas_src>
import functools

import jax
import jax.numpy as jnp
import numpy as np
from jax import lax
from jax.experimental import pallas as pl
from jax.experimental.pallas import tpu as pltpu
from jax.experimental.pallas import tpu_sc as plsc

B, N, HID, H, NREL, EPN = 4, 128, 768, 12, 64, 32
E = B * N * EPN
DH = HID // H
LH = 16
NT = 16
EPT = E // NT
NCH = EPT // 128
ROWS_T = B * N * N
ROWS_G = B * N * NREL
f32 = jnp.float32


def _proj_body(ns_ref, wqt_ref, wkt_ref, wvt_ref, bq_ref, bk_ref, bv_ref,
               mk_ref, eb_ref, ei_ref, ej_ref, er_ref,
               q_ref, k_ref, v_ref, qe_ref, g_ref, t_ref):
    ns = ns_ref[...]
    q = jnp.dot(ns, wqt_ref[...], preferred_element_type=f32) + bq_ref[...]
    k = jnp.dot(ns, wkt_ref[...], preferred_element_type=f32) + bk_ref[...]
    v = jnp.dot(ns, wvt_ref[...], preferred_element_type=f32) + bv_ref[...]
    q_ref[...] = q
    k_ref[...] = k
    v_ref[...] = v
    qe = jnp.dot(q, mk_ref[...], preferred_element_type=f32)
    lane = lax.broadcasted_iota(jnp.int32, (B * N, NREL * LH), 1)
    qe_ref[...] = qe + jnp.where(lane % LH == 12, 1.0, 0.0).astype(f32)
    row = eb_ref[...] * N + ei_ref[...]
    g_ref[...] = row * NREL + er_ref[...]
    t_ref[...] = row * N + ej_ref[...]


_proj_call = pl.pallas_call(
    _proj_body,
    out_shape=(
        jax.ShapeDtypeStruct((B * N, HID), f32),
        jax.ShapeDtypeStruct((B * N, HID), f32),
        jax.ShapeDtypeStruct((B * N, HID), f32),
        jax.ShapeDtypeStruct((B * N, NREL * LH), f32),
        jax.ShapeDtypeStruct((128, E // 128), jnp.int32),
        jax.ShapeDtypeStruct((128, E // 128), jnp.int32),
    ),
)


NW = 32
RPW = B * N // NW
EBLK = 2048
NBLK = E // EBLK


@functools.lru_cache(maxsize=None)
def _sc_scatter_kernel(src_per_row, acc_per_row, nlane, gather_by_g):
    spt = RPW * src_per_row
    zpt = RPW * acc_per_row

    gshift = 6 if gather_by_g else 7

    def body(src_hbm, gi_hbm, ti_hbm, z_hbm, out_hbm,
             gb, tb, cg, ct, src_v, acc_v):
        cid = lax.axis_index("c")
        sid = lax.axis_index("s")
        wid = sid * 2 + cid
        lo = wid * RPW
        gbase = lo * src_per_row
        sbase = lo * acc_per_row
        lanes = [jnp.full((16,), l, jnp.int32) for l in range(nlane)]
        liota = lax.iota(jnp.int32, 16)
        pltpu.sync_copy(src_hbm.at[pl.ds(gbase, spt)], src_v)
        pltpu.sync_copy(z_hbm.at[pl.ds(0, zpt)], acc_v)

        def scan_blk(blk, carry):
            base = blk * EBLK
            pltpu.sync_copy(gi_hbm.at[pl.ds(base, EBLK)], gb)
            pltpu.sync_copy(ti_hbm.at[pl.ds(base, EBLK)], tb)

            def grp(i, cnt):
                off = i * 16
                gv = gb[pl.ds(off, 16)]
                tv = tb[pl.ds(off, 16)]
                rowv = lax.shift_right_logical(gv, gshift)
                inr = (rowv >= lo) & (rowv < lo + RPW)
                plsc.store_compressed(cg.at[pl.ds(cnt, 16)], gv, mask=inr)
                plsc.store_compressed(ct.at[pl.ds(cnt, 16)], tv, mask=inr)
                return cnt + plsc.all_reduce_population_count(inr)[0]

            cnt = lax.fori_loop(0, EBLK // 16, grp, jnp.int32(0))

            def proc(i, carry2):
                off = i * 16
                valid = off + liota < cnt
                gidx = cg[pl.ds(off, 16)] - gbase
                sidx = ct[pl.ds(off, 16)] - sbase
                gidx = jnp.minimum(jnp.maximum(gidx, 0), spt - 1)
                sidx = jnp.minimum(jnp.maximum(sidx, 0), zpt - 1)
                for l in range(nlane):
                    vals = plsc.load_gather(src_v, [gidx, lanes[l]], mask=valid)
                    plsc.addupdate_scatter(acc_v, [sidx, lanes[l]], vals,
                                           mask=valid)
                return carry2

            lax.fori_loop(0, (cnt + 15) // 16, proc, jnp.int32(0))
            return carry

        lax.fori_loop(0, NBLK, scan_blk, jnp.int32(0))
        pltpu.sync_copy(acc_v, out_hbm.at[pl.ds(sbase, zpt)])

    return pl.kernel(
        body,
        out_type=jax.ShapeDtypeStruct((NW * zpt, LH), f32),
        mesh=plsc.VectorSubcoreMesh(core_axis_name="c", subcore_axis_name="s",
                                    num_cores=2, num_subcores=NT),
        compiler_params=pltpu.CompilerParams(needs_layout_passes=False,
                                             use_tc_tiling_on_sc=False),
        scratch_types=[
            pltpu.VMEM((EBLK,), jnp.int32),
            pltpu.VMEM((EBLK,), jnp.int32),
            pltpu.VMEM((EBLK + 16,), jnp.int32),
            pltpu.VMEM((EBLK + 16,), jnp.int32),
            pltpu.VMEM((spt, LH), f32),
            pltpu.VMEM((zpt, LH), f32),
        ],
    )


def _attn_body(q_ref, k_ref, v_ref, s2e_ref, cnt_ref, out1_ref, probs_ref):
    q = q_ref[0, 0]
    k = k_ref[0, 0]
    inv = np.float32(1.0 / np.sqrt(DH))
    n2n = lax.dot_general(q, k, (((1,), (1,)), ((), ())),
                          preferred_element_type=f32)
    logits = (n2n + s2e_ref[0, 0]) * inv
    mask = cnt_ref[0] > 0.5
    m = jnp.max(jnp.where(mask, logits, np.float32(-1e30)), axis=1, keepdims=True)
    m = jnp.where(m < -1e29, np.float32(0.0), m)
    ex = jnp.exp(logits - m) * mask.astype(f32)
    den = jnp.maximum(jnp.sum(ex, axis=1, keepdims=True), np.float32(1e-30))
    p = ex / den
    probs_ref[0, 0] = p
    out1_ref[0, 0] = jnp.dot(p, v_ref[0, 0], preferred_element_type=f32)


_attn_call = pl.pallas_call(
    _attn_body,
    grid=(B, H),
    in_specs=[
        pl.BlockSpec((1, 1, N, DH), lambda b, h: (b, h, 0, 0)),
        pl.BlockSpec((1, 1, N, DH), lambda b, h: (b, h, 0, 0)),
        pl.BlockSpec((1, 1, N, DH), lambda b, h: (b, h, 0, 0)),
        pl.BlockSpec((1, 1, N, N), lambda b, h: (b, h, 0, 0)),
        pl.BlockSpec((1, N, N), lambda b, h: (b, 0, 0)),
    ],
    out_specs=[
        pl.BlockSpec((1, 1, N, DH), lambda b, h: (b, h, 0, 0)),
        pl.BlockSpec((1, 1, N, N), lambda b, h: (b, h, 0, 0)),
    ],
    out_shape=(
        jax.ShapeDtypeStruct((B, H, N, DH), f32),
        jax.ShapeDtypeStruct((B, H, N, N), f32),
    ),
)


def _final_body(w_ref, mv_ref, out1_ref, out_ref):
    out_ref[...] = out1_ref[...] + jnp.dot(w_ref[...], mv_ref[...],
                                           preferred_element_type=f32)


_final_call = pl.pallas_call(
    _final_body,
    out_shape=jax.ShapeDtypeStruct((B * N, HID), f32),
)


def kernel(node_states, edge_indices, node_type_ids, Wq, bq, Wk, bk, Wv, bv,
           key_edge_table, value_edge_table):
    ns = node_states.reshape(B * N, HID)
    eye = jnp.eye(H, LH, dtype=f32)
    MK = jnp.einsum("rhd,hl->hdrl", key_edge_table.reshape(NREL, H, DH),
                    eye).reshape(HID, NREL * LH)
    MV = jnp.einsum("rhd,hl->rlhd", value_edge_table.reshape(NREL, H, DH),
                    eye).reshape(NREL * LH, HID)
    zeros_blk = jnp.zeros((ROWS_T // NT, LH), f32)

    ei2d = edge_indices.reshape(4, 128, E // 128)
    q, k, v, qe, g2d, t2d = _proj_call(ns, Wq.T, Wk.T, Wv.T, bq[None, :],
                                       bk[None, :], bv[None, :], MK,
                                       ei2d[0], ei2d[1], ei2d[2], ei2d[3])
    g_idx = g2d.reshape(E)
    t_idx = t2d.reshape(E)

    s2e = _sc_scatter_kernel(NREL, N, 13, True)(qe.reshape(ROWS_G, LH),
                                                g_idx, t_idx, zeros_blk)
    s2e_t = s2e.reshape(B, N, N, LH).transpose(0, 3, 1, 2)
    cnt = s2e_t[:, 12]

    qh = q.reshape(B, N, H, DH).transpose(0, 2, 1, 3)
    kh = k.reshape(B, N, H, DH).transpose(0, 2, 1, 3)
    vh = v.reshape(B, N, H, DH).transpose(0, 2, 1, 3)
    out1, probs = _attn_call(qh, kh, vh, s2e_t, cnt)

    probs_pad = jnp.pad(probs.transpose(0, 2, 3, 1),
                        ((0, 0), (0, 0), (0, 0), (0, LH - H)))
    w = _sc_scatter_kernel(N, NREL, 12, False)(probs_pad.reshape(ROWS_T, LH),
                                               t_idx, g_idx, zeros_blk)

    out1_flat = out1.transpose(0, 2, 1, 3).reshape(B * N, HID)
    out = _final_call(w.reshape(B * N, NREL * LH), MV, out1_flat)
    return out.reshape(B, N, HID)

# --- scband reference (transcript-rebuilt; emitter-appended) ---
"""Pipeline reference for scband-edge-as-attendee-self-attention-69827578298379 (READ-ONLY COPY).

The authoritative reference and input builder live on the scoring server;
editing this copy changes nothing except your own understanding.
"""

import jax, jax.numpy as jnp
import numpy as np

B, N, HID, H, NREL, EPN = 4, 128, 768, 12, 64, 32
E = B * N * EPN
DH = HID // H


def setup_inputs(seed: int = 0) -> dict:
    key = jax.random.key(seed)
    ks = jax.random.split(key, 12)
    node_states = jax.random.normal(ks[0], (B, N, HID), dtype=jnp.float32)
    b_idx = jax.random.randint(ks[1], (E,), 0, B, dtype=jnp.int32)
    i_idx = jax.random.randint(ks[2], (E,), 0, N, dtype=jnp.int32)
    j_idx = jax.random.randint(ks[3], (E,), 0, N, dtype=jnp.int32)
    r_idx = jax.random.randint(ks[4], (E,), 0, NREL, dtype=jnp.int32)
    edge_indices = jnp.stack([b_idx, i_idx, j_idx, r_idx], axis=0)
    node_type_ids = jnp.zeros((B, N), dtype=jnp.int32)
    s = 1.0 / np.sqrt(HID)
    Wq = jax.random.normal(ks[5], (HID, HID), dtype=jnp.float32) * s
    Wk = jax.random.normal(ks[6], (HID, HID), dtype=jnp.float32) * s
    Wv = jax.random.normal(ks[7], (HID, HID), dtype=jnp.float32) * s
    bq = jnp.zeros((HID,), dtype=jnp.float32)
    bk = jnp.zeros((HID,), dtype=jnp.float32)
    bv = jnp.zeros((HID,), dtype=jnp.float32)
    key_edge_table = jax.random.normal(ks[8], (NREL, HID), dtype=jnp.float32) * 0.02
    key_edge_table = key_edge_table.at[0].set(0.0)  # TOKEN_TO_TOKEN_RELATION_ID row zeroed
    value_edge_table = jax.random.normal(ks[9], (NREL, HID), dtype=jnp.float32) * 0.02
    value_edge_table = value_edge_table.at[0].set(0.0)
    return {"node_states": node_states, "edge_indices": edge_indices, "node_type_ids": node_type_ids,
            "Wq": Wq, "bq": bq, "Wk": Wk, "bk": bk, "Wv": Wv, "bv": bv,
            "key_edge_table": key_edge_table, "value_edge_table": value_edge_table}


def reference(node_states, edge_indices, node_type_ids, Wq, bq, Wk, bk, Wv, bv, key_edge_table, value_edge_table):
    b_idx = edge_indices[0]
    i_idx = edge_indices[1]
    j_idx = edge_indices[2]
    r_idx = edge_indices[3]
    f32 = jnp.float32
    # Edge embedding lookup + coalesce (duplicate (b,i,j) entries summed) via dense scatter-add,
    # mirroring sparse_coo_tensor(...).coalesce() followed by the module's to_dense().
    K_edge = jnp.zeros((B, N, N, HID), dtype=f32).at[b_idx, i_idx, j_idx].add(key_edge_table[r_idx])
    V_edge = jnp.zeros((B, N, N, HID), dtype=f32).at[b_idx, i_idx, j_idx].add(value_edge_table[r_idx])
    mask = jnp.zeros((B, N, N), dtype=bool).at[b_idx, i_idx, j_idx].set(True)
    Q = node_states @ Wq.T + bq
    K = node_states @ Wk.T + bk
    V = node_states @ Wv.T + bv
    Qh = Q.reshape(B, N, H, DH)
    Kh = K.reshape(B, N, H, DH)
    Vh = V.reshape(B, N, H, DH)
    Keh = K_edge.reshape(B, N, N, H, DH)
    Veh = V_edge.reshape(B, N, N, H, DH)
    inv_sqrt = 1.0 / jnp.sqrt(jnp.asarray(DH, dtype=f32))
    node2node = jnp.einsum('bihd,bjhd->bijh', Qh, Kh) * inv_sqrt
    node2edge = jnp.einsum('bihd,bijhd->bijh', Qh, Keh) * inv_sqrt
    logits = node2node + node2edge
    mask_h = mask[..., None]  # (B,N,N,1) broadcast over heads
    # sparse softmax over dim=-2 (tail node j): only edge cells participate, empty rows -> 0
    big_neg = jnp.asarray(-1e30, dtype=f32)
    masked_logits = jnp.where(mask_h, logits, big_neg)
    m = jax.lax.stop_gradient(jnp.max(masked_logits, axis=2, keepdims=True))
    m = jnp.where(m < -1e29, 0.0, m)
    ex = jnp.exp(logits - m) * mask_h.astype(f32)
    denom = jnp.sum(ex, axis=2, keepdims=True)
    probs = ex / jnp.maximum(denom, 1e-30)  # (B,N,N,H); dropout p=0.0
    values = jnp.where(mask[..., None, None], Vh[:, None, :, :, :] + Veh, 0.0)  # (B,N,N,H,DH)
    out = jnp.einsum('bijh,bijhd->bihd', probs, values)
    return out.reshape(B, N, HID)

if __name__ == "__main__":
    import jax
    _d = setup_inputs()
    print(jax.jit(kernel)(*tuple(_d.values())))

</pallas_src>

<mosaic_0001>
#map = affine_map<(d0, d1) -> (0, 0)>
#map1 = affine_map<(d0, d1) -> (0)>
module attributes {stable_mosaic.version = 14 : i64} {
  func.func @body(%arg0: i32, %arg1: i32, %arg2: memref<65536x16xf32, #tpu.memory_space<hbm>>, %arg3: memref<16384xi32, #tpu.memory_space<hbm>>, %arg4: memref<16384xi32, #tpu.memory_space<hbm>>, %arg5: memref<4096x16xf32, #tpu.memory_space<hbm>>, %arg6: memref<32768x16xf32, #tpu.memory_space<hbm>>, %arg7: memref<2048xi32, #tpu.memory_space<vmem>>, %arg8: memref<2048xi32, #tpu.memory_space<vmem>>, %arg9: memref<2064xi32, #tpu.memory_space<vmem>>, %arg10: memref<2064xi32, #tpu.memory_space<vmem>>, %arg11: memref<2048x16xf32, #tpu.memory_space<vmem>>, %arg12: memref<1024x16xf32, #tpu.memory_space<vmem>>) attributes {dimension_semantics = [#tpu.dimension_semantics<core_parallel>, #tpu.dimension_semantics<subcore_parallel>], iteration_bounds = array<i64: 2, 16>, scalar_prefetch = 0 : i64, scratch_operands = 6 : i64, tpu.core_type = #tpu.core_type<sc_vector_subcore>, window_params = [{transform_indices = #map}, {transform_indices = #map1}, {transform_indices = #map1}, {transform_indices = #map}, {transform_indices = #map}]} {
    %mul3A = arith.constant 2 : i32
    %mul3A_0 = arith.muli %arg1, %mul3A : i32
    %add3A = arith.addi %mul3A_0, %arg0 : i32
    %mul3A_1 = arith.constant 16 : i32
    %mul3A_2 = arith.muli %add3A, %mul3A_1 : i32
    %mul3A_3 = arith.constant 128 : i32
    %mul3A_4 = arith.muli %mul3A_2, %mul3A_3 : i32
    %mul3A_5 = arith.constant 64 : i32
    %mul3A_6 = arith.muli %mul3A_2, %mul3A_5 : i32
    %broadcast_in_dim3A = arith.constant 0 : i32
    %broadcast_in_dim3A_7 = vector.broadcast %broadcast_in_dim3A : i32 to vector<16xi32>
    %broadcast_in_dim3A_8 = arith.constant 1 : i32
    %broadcast_in_dim3A_9 = vector.broadcast %broadcast_in_dim3A_8 : i32 to vector<16xi32>
    %broadcast_in_dim3A_10 = arith.constant 2 : i32
    %broadcast_in_dim3A_11 = vector.broadcast %broadcast_in_dim3A_10 : i32 to vector<16xi32>
    %broadcast_in_dim3A_12 = arith.constant 3 : i32
    %broadcast_in_dim3A_13 = vector.broadcast %broadcast_in_dim3A_12 : i32 to vector<16xi32>
    %broadcast_in_dim3A_14 = arith.constant 4 : i32
    %broadcast_in_dim3A_15 = vector.broadcast %broadcast_in_dim3A_14 : i32 to vector<16xi32>
    %broadcast_in_dim3A_16 = arith.constant 5 : i32
    %broadcast_in_dim3A_17 = vector.broadcast %broadcast_in_dim3A_16 : i32 to vector<16xi32>
    %broadcast_in_dim3A_18 = arith.constant 6 : i32
    %broadcast_in_dim3A_19 = vector.broadcast %broadcast_in_dim3A_18 : i32 to vector<16xi32>
    %broadcast_in_dim3A_20 = arith.constant 7 : i32
    %broadcast_in_dim3A_21 = vector.broadcast %broadcast_in_dim3A_20 : i32 to vector<16xi32>
    %broadcast_in_dim3A_22 = arith.constant 8 : i32
    %broadcast_in_dim3A_23 = vector.broadcast %broadcast_in_dim3A_22 : i32 to vector<16xi32>
    %broadcast_in_dim3A_24 = arith.constant 9 : i32
    %broadcast_in_dim3A_25 = vector.broadcast %broadcast_in_dim3A_24 : i32 to vector<16xi32>
    %broadcast_in_dim3A_26 = arith.constant 10 : i32
    %broadcast_in_dim3A_27 = vector.broadcast %broadcast_in_dim3A_26 : i32 to vector<16xi32>
    %broadcast_in_dim3A_28 = arith.constant 11 : i32
    %broadcast_in_dim3A_29 = vector.broadcast %broadcast_in_dim3A_28 : i32 to vector<16xi32>
    %iota3A = tpu.iota {dimensions = array<i32: 0>} : vector<16xi32>
    "tpu.region"() ({
      %run_scoped3A = tpu.sem_alloc : memref<!tpu.dma_semaphore, #tpu.memory_space<semaphore_mem>>
      %dma_start3A = arith.constant 0 : i32
      %dma_start3A_35 = tpu.memref_slice %arg2[%mul3A_4, %dma_start3A] : memref<65536x16xf32, #tpu.memory_space<hbm>> -> memref<2048x16xf32, #tpu.memory_space<hbm>>
      %dma_start3A_36 = arith.constant 0 : i32
      %dma_start3A_37 = tpu.memref_slice %arg2[%mul3A_4, %dma_start3A_36] : memref<65536x16xf32, #tpu.memory_space<hbm>> -> memref<2048x16xf32, #tpu.memory_space<hbm>>
      tpu.enqueue_dma source(%dma_start3A_37 : memref<2048x16xf32, #tpu.memory_space<hbm>>) target(%arg11 : memref<2048x16xf32, #tpu.memory_space<vmem>>) target_semaphore(%run_scoped3A : memref<!tpu.dma_semaphore, #tpu.memory_space<semaphore_mem>>)
      %dma_wait3A = arith.constant 0 : i32
      %dma_wait3A_38 = tpu.memref_slice %arg2[%mul3A_4, %dma_wait3A] : memref<65536x16xf32, #tpu.memory_space<hbm>> -> memref<2048x16xf32, #tpu.memory_space<hbm>>
      %dma_wait3A_39 = arith.constant 0 : i32
      %dma_wait3A_40 = tpu.memref_slice %arg2[%mul3A_4, %dma_wait3A_39] : memref<65536x16xf32, #tpu.memory_space<hbm>> -> memref<2048x16xf32, #tpu.memory_space<hbm>>
      tpu.wait_dma2 semaphore(%run_scoped3A : memref<!tpu.dma_semaphore, #tpu.memory_space<semaphore_mem>>) src(%dma_wait3A_40 : memref<2048x16xf32, #tpu.memory_space<hbm>>) dst(%arg11 : memref<2048x16xf32, #tpu.memory_space<vmem>>)
      tpu.yield
    }) : () -> ()
    "tpu.region"() ({
      %run_scoped3A = tpu.sem_alloc : memref<!tpu.dma_semaphore, #tpu.memory_space<semaphore_mem>>
      %dma_start3A = arith.constant 0 : i32
      %dma_start3A_35 = arith.constant 0 : i32
      %dma_start3A_36 = tpu.memref_slice %arg5[%dma_start3A, %dma_start3A_35] : memref<4096x16xf32, #tpu.memory_space<hbm>> -> memref<1024x16xf32, #tpu.memory_space<hbm>>
      %dma_start3A_37 = arith.constant 0 : i32
      %dma_start3A_38 = arith.constant 0 : i32
      %dma_start3A_39 = tpu.memref_slice %arg5[%dma_start3A_37, %dma_start3A_38] : memref<4096x16xf32, #tpu.memory_space<hbm>> -> memref<1024x16xf32, #tpu.memory_space<hbm>>
      tpu.enqueue_dma source(%dma_start3A_39 : memref<1024x16xf32, #tpu.memory_space<hbm>>) target(%arg12 : memref<1024x16xf32, #tpu.memory_space<vmem>>) target_semaphore(%run_scoped3A : memref<!tpu.dma_semaphore, #tpu.memory_space<semaphore_mem>>)
      %dma_wait3A = arith.constant 0 : i32
      %dma_wait3A_40 = arith.constant 0 : i32
      %dma_wait3A_41 = tpu.memref_slice %arg5[%dma_wait3A, %dma_wait3A_40] : memref<4096x16xf32, #tpu.memory_space<hbm>> -> memref<1024x16xf32, #tpu.memory_space<hbm>>
      %dma_wait3A_42 = arith.constant 0 : i32
      %dma_wait3A_43 = arith.constant 0 : i32
      %dma_wait3A_44 = tpu.memref_slice %arg5[%dma_wait3A_42, %dma_wait3A_43] : memref<4096x16xf32, #tpu.memory_space<hbm>> -> memref<1024x16xf32, #tpu.memory_space<hbm>>
      tpu.wait_dma2 semaphore(%run_scoped3A : memref<!tpu.dma_semaphore, #tpu.memory_space<semaphore_mem>>) src(%dma_wait3A_44 : memref<1024x16xf32, #tpu.memory_space<hbm>>) dst(%arg12 : memref<1024x16xf32, #tpu.memory_space<vmem>>)
      tpu.yield
    }) : () -> ()
    %scan3A = arith.constant 0 : i32
    %scan3A_30 = arith.constant 0 : i32
    %scan3A_31 = arith.constant 8 : i32
    %scan3A_32 = arith.addi %scan3A_30, %scan3A_31 : i32
    %scan3A_33 = arith.constant 1 : i32
    scf.for %scan3A_35 = %scan3A_30 to %scan3A_32 step %scan3A_33  : i32 {
      %mul3A_36 = arith.constant 2048 : i32
      %mul3A_37 = arith.muli %scan3A_35, %mul3A_36 : i32
      "tpu.region"() ({
        %run_scoped3A = tpu.sem_alloc : memref<!tpu.dma_semaphore, #tpu.memory_space<semaphore_mem>>
        %dma_start3A = tpu.memref_slice %arg3[%mul3A_37] : memref<16384xi32, #tpu.memory_space<hbm>> -> memref<2048xi32, #tpu.memory_space<hbm>>
        %dma_start3A_72 = tpu.memref_slice %arg3[%mul3A_37] : memref<16384xi32, #tpu.memory_space<hbm>> -> memref<2048xi32, #tpu.memory_space<hbm>>
        tpu.enqueue_dma source(%dma_start3A_72 : memref<2048xi32, #tpu.memory_space<hbm>>) target(%arg7 : memref<2048xi32, #tpu.memory_space<vmem>>) target_semaphore(%run_scoped3A : memref<!tpu.dma_semaphore, #tpu.memory_space<semaphore_mem>>)
        %dma_wait3A = tpu.memref_slice %arg3[%mul3A_37] : memref<16384xi32, #tpu.memory_space<hbm>> -> memref<2048xi32, #tpu.memory_space<hbm>>
        %dma_wait3A_73 = tpu.memref_slice %arg3[%mul3A_37] : memref<16384xi32, #tpu.memory_space<hbm>> -> memref<2048xi32, #tpu.memory_space<hbm>>
        tpu.wait_dma2 semaphore(%run_scoped3A : memref<!tpu.dma_semaphore, #tpu.memory_space<semaphore_mem>>) src(%dma_wait3A_73 : memref<2048xi32, #tpu.memory_space<hbm>>) dst(%arg7 : memref<2048xi32, #tpu.memory_space<vmem>>)
        tpu.yield
      }) : () -> ()
      "tpu.region"() ({
        %run_scoped3A = tpu.sem_alloc : memref<!tpu.dma_semaphore, #tpu.memory_space<semaphore_mem>>
        %dma_start3A = tpu.memref_slice %arg4[%mul3A_37] : memref<16384xi32, #tpu.memory_space<hbm>> -> memref<2048xi32, #tpu.memory_space<hbm>>
        %dma_start3A_72 = tpu.memref_slice %arg4[%mul3A_37] : memref<16384xi32, #tpu.memory_space<hbm>> -> memref<2048xi32, #tpu.memory_space<hbm>>
        tpu.enqueue_dma source(%dma_start3A_72 : memref<2048xi32, #tpu.memory_space<hbm>>) target(%arg8 : memref<2048xi32, #tpu.memory_space<vmem>>) target_semaphore(%run_scoped3A : memref<!tpu.dma_semaphore, #tpu.memory_space<semaphore_mem>>)
        %dma_wait3A = tpu.memref_slice %arg4[%mul3A_37] : memref<16384xi32, #tpu.memory_space<hbm>> -> memref<2048xi32, #tpu.memory_space<hbm>>
        %dma_wait3A_73 = tpu.memref_slice %arg4[%mul3A_37] : memref<16384xi32, #tpu.memory_space<hbm>> -> memref<2048xi32, #tpu.memory_space<hbm>>
        tpu.wait_dma2 semaphore(%run_scoped3A : memref<!tpu.dma_semaphore, #tpu.memory_space<semaphore_mem>>) src(%dma_wait3A_73 : memref<2048xi32, #tpu.memory_space<hbm>>) dst(%arg8 : memref<2048xi32, #tpu.memory_space<vmem>>)
        tpu.yield
      }) : () -> ()
      %scan3A_38 = arith.constant 0 : i32
      %scan3A_39 = arith.constant 0 : i32
      %scan3A_40 = arith.constant 128 : i32
      %scan3A_41 = arith.addi %scan3A_39, %scan3A_40 : i32
      %scan3A_42 = arith.constant 1 : i32
      %scan3A_43 = scf.for %scan3A_72 = %scan3A_39 to %scan3A_41 step %scan3A_42 iter_args(%scan3A_73 = %scan3A_38) -> (i32)  : i32 {
        %mul3A_74 = arith.constant 16 : i32
        %mul3A_75 = arith.muli %scan3A_72, %mul3A_74 : i32
        %get3A = arith.index_cast %mul3A_75 : i32 to index
        %get3A_76 = tpu.vector_load %arg7[%get3A] {strides = array<i32>} : memref<2048xi32, #tpu.memory_space<vmem>>, vector<16xi32>,
        %get3A_77 = arith.index_cast %mul3A_75 : i32 to index
        %get3A_78 = tpu.vector_load %arg8[%get3A_77] {strides = array<i32>} : memref<2048xi32, #tpu.memory_space<vmem>>, vector<16xi32>,
        %shift_right_logical3A = arith.constant 7 : i32
        %shift_right_logical3A_79 = vector.broadcast %shift_right_logical3A : i32 to vector<16xi32>
        %shift_right_logical3A_80 = arith.shrui %get3A_76, %shift_right_logical3A_79 : vector<16xi32>
        %ge3A = vector.broadcast %mul3A_2 : i32 to vector<16xi32>
        %ge3A_81 = arith.cmpi sge, %shift_right_logical3A_80, %ge3A : vector<16xi32>
        %add3A_82 = arith.constant 16 : i32
        %add3A_83 = arith.addi %mul3A_2, %add3A_82 : i32
        %lt3A = vector.broadcast %add3A_83 : i32 to vector<16xi32>
        %lt3A_84 = arith.cmpi slt, %shift_right_logical3A_80, %lt3A : vector<16xi32>
        %and3A_85 = arith.andi %ge3A_81, %lt3A_84 : vector<16xi1>
        %swap3A = arith.index_cast %scan3A_73 : i32 to index
        %swap3A_86 = tpu.vector_load %arg9[%swap3A] masked %and3A_85 {strides = array<i32>} : memref<2064xi32, #tpu.memory_space<vmem>>, vector<16xi32>, vector<16xi1>
        tpu.vector_store %arg9[%swap3A], %get3A_76 masked %and3A_85 {strides = array<i32>} : memref<2064xi32, #tpu.memory_space<vmem>>, vector<16xi32>, vector<16xi1>
        %swap3A_87 = arith.index_cast %scan3A_73 : i32 to index
        %swap3A_88 = tpu.vector_load %arg10[%swap3A_87] masked %and3A_85 {strides = array<i32>} : memref<2064xi32, #tpu.memory_space<vmem>>, vector<16xi32>, vector<16xi1>
        tpu.vector_store %arg10[%swap3A_87], %get3A_78 masked %and3A_85 {strides = array<i32>} : memref<2064xi32, #tpu.memory_space<vmem>>, vector<16xi32>, vector<16xi1>
        %all_reduce_population_count3A = tpu.all_reduce %and3A_85 {dim = 0 : i64, kind = #tpu.reduction_kind<sum>} : vector<16xi1> -> vector<16xi32>
        %slice3A = vector.extract_strided_slice %all_reduce_population_count3A {offsets = [0], sizes = [1], strides = [1]} : vector<16xi32> to vector<1xi32>
        %squeeze3A = vector.extract %slice3A[0] : i32 from vector<1xi32>
        %add3A_89 = arith.addi %scan3A_73, %squeeze3A : i32
        scf.yield %add3A_89 : i32
      }
      %scan3A_44 = arith.constant 128 : i32
      %add3A_45 = arith.constant 15 : i32
      %add3A_46 = arith.addi %scan3A_43, %add3A_45 : i32
      %jit3A = arith.constant 16 : i32
      %div3A = arith.divsi %add3A_46, %jit3A : i32
      %sign3A = arith.constant 0 : i32
      %sign3A_47 = arith.cmpi sgt, %add3A_46, %sign3A : i32
      %sign3A_48 = arith.extui %sign3A_47 : i1 to i32
      %sign3A_49 = arith.constant 0 : i32
      %sign3A_50 = arith.cmpi slt, %add3A_46, %sign3A_49 : i32
      %sign3A_51 = arith.extui %sign3A_50 : i1 to i32
      %sign3A_52 = arith.subi %sign3A_48, %sign3A_51 : i32
      %sign3A_53 = arith.constant 0 : i32
      %sign3A_54 = arith.cmpi sgt, %jit3A, %sign3A_53 : i32
      %sign3A_55 = arith.extui %sign3A_54 : i1 to i32
      %sign3A_56 = arith.constant 0 : i32
      %sign3A_57 = arith.cmpi slt, %jit3A, %sign3A_56 : i32
      %sign3A_58 = arith.extui %sign3A_57 : i1 to i32
      %sign3A_59 = arith.subi %sign3A_55, %sign3A_58 : i32
      %ne3A = arith.cmpi ne, %sign3A_52, %sign3A_59 : i32
      %rem3A = arith.remsi %add3A_46, %jit3A : i32
      %ne3A_60 = arith.constant 0 : i32
      %ne3A_61 = arith.cmpi ne, %rem3A, %ne3A_60 : i32
      %and3A = arith.andi %ne3A, %ne3A_61 : i1
      %sub3A = arith.constant 1 : i32
      %sub3A_62 = arith.subi %div3A, %sub3A : i32
      %select_n3A = arith.select %and3A, %sub3A_62, %div3A : i32
      %while3A = arith.constant 0 : i32
      %while3A_63 = arith.constant 0 : i32
      %while3A_64 = arith.subi %select_n3A, %while3A_63 : i32
      %while3A_65 = arith.addi %while3A_63, %while3A_64 : i32
      %while3A_66 = arith.constant 1 : i32
      %while3A_67 = arith.divsi %while3A_64, %while3A_66 : i32
      %while3A_68 = arith.muli %while3A_67, %while3A_66 : i32
      %while3A_69 = arith.addi %while3A_63, %while3A_68 : i32
      %while3A_70 = arith.constant 1 : i32
      scf.for %while3A_72 = %while3A_63 to %while3A_69 step %while3A_70  : i32 {
        %mul3A_73 = arith.constant 16 : i32
        %mul3A_74 = arith.muli %while3A_72, %mul3A_73 : i32
        %add3A_75 = vector.broadcast %mul3A_74 : i32 to vector<16xi32>
        %add3A_76 = arith.addi %add3A_75, %iota3A : vector<16xi32>
        %lt3A = vector.broadcast %scan3A_43 : i32 to vector<16xi32>
        %lt3A_77 = arith.cmpi slt, %add3A_76, %lt3A : vector<16xi32>
        %get3A = arith.index_cast %mul3A_74 : i32 to index
        %get3A_78 = tpu.vector_load %arg9[%get3A] {strides = array<i32>} : memref<2064xi32, #tpu.memory_space<vmem>>, vector<16xi32>,
        %sub3A_79 = vector.broadcast %mul3A_4 : i32 to vector<16xi32>
        %sub3A_80 = arith.subi %get3A_78, %sub3A_79 : vector<16xi32>
        %get3A_81 = arith.index_cast %mul3A_74 : i32 to index
        %get3A_82 = tpu.vector_load %arg10[%get3A_81] {strides = array<i32>} : memref<2064xi32, #tpu.memory_space<vmem>>, vector<16xi32>,
        %sub3A_83 = vector.broadcast %mul3A_6 : i32 to vector<16xi32>
        %sub3A_84 = arith.subi %get3A_82, %sub3A_83 : vector<16xi32>
        %max3A = arith.constant 0 : i32
        %max3A_85 = vector.broadcast %max3A : i32 to vector<16xi32>
        %max3A_86 = arith.maxsi %sub3A_80, %max3A_85 : vector<16xi32>
        %min3A = arith.constant 2047 : i32
        %min3A_87 = vector.broadcast %min3A : i32 to vector<16xi32>
        %min3A_88 = arith.minsi %max3A_86, %min3A_87 : vector<16xi32>
        %max3A_89 = arith.constant 0 : i32
        %max3A_90 = vector.broadcast %max3A_89 : i32 to vector<16xi32>
        %max3A_91 = arith.maxsi %sub3A_84, %max3A_90 : vector<16xi32>
        %min3A_92 = arith.constant 1023 : i32
        %min3A_93 = vector.broadcast %min3A_92 : i32 to vector<16xi32>
        %min3A_94 = arith.minsi %max3A_91, %min3A_93 : vector<16xi32>
        %gather3A = tpu.vector_load_idx %arg11[%min3A_88, %broadcast_in_dim3A_7] masked %lt3A_77 : memref<2048x16xf32, #tpu.memory_space<vmem>>[vector<16xi32>, vector<16xi32>], vector<16xf32>, vector<16xi1>
        tpu.vector_store_idx %arg12[%min3A_94, %broadcast_in_dim3A_7], %gather3A masked %lt3A_77 {add = true} : memref<1024x16xf32, #tpu.memory_space<vmem>>[vector<16xi32>, vector<16xi32>], vector<16xf32>, vector<16xi1>
        %gather3A_95 = tpu.vector_load_idx %arg11[%min3A_88, %broadcast_in_dim3A_9] masked %lt3A_77 : memref<2048x16xf32, #tpu.memory_space<vmem>>[vector<16xi32>, vector<16xi32>], vector<16xf32>, vector<16xi1>
        tpu.vector_store_idx %arg12[%min3A_94, %broadcast_in_dim3A_9], %gather3A_95 masked %lt3A_77 {add = true} : memref<1024x16xf32, #tpu.memory_space<vmem>>[vector<16xi32>, vector<16xi32>], vector<16xf32>, vector<16xi1>
        %gather3A_96 = tpu.vector_load_idx %arg11[%min3A_88, %broadcast_in_dim3A_11] masked %lt3A_77 : memref<2048x16xf32, #tpu.memory_space<vmem>>[vector<16xi32>, vector<16xi32>], vector<16xf32>, vector<16xi1>
        tpu.vector_store_idx %arg12[%min3A_94, %broadcast_in_dim3A_11], %gather3A_96 masked %lt3A_77 {add = true} : memref<1024x16xf32, #tpu.memory_space<vmem>>[vector<16xi32>, vector<16xi32>], vector<16xf32>, vector<16xi1>
        %gather3A_97 = tpu.vector_load_idx %arg11[%min3A_88, %broadcast_in_dim3A_13] masked %lt3A_77 : memref<2048x16xf32, #tpu.memory_space<vmem>>[vector<16xi32>, vector<16xi32>], vector<16xf32>, vector<16xi1>
        tpu.vector_store_idx %arg12[%min3A_94, %broadcast_in_dim3A_13], %gather3A_97 masked %lt3A_77 {add = true} : memref<1024x16xf32, #tpu.memory_space<vmem>>[vector<16xi32>, vector<16xi32>], vector<16xf32>, vector<16xi1>
        %gather3A_98 = tpu.vector_load_idx %arg11[%min3A_88, %broadcast_in_dim3A_15] masked %lt3A_77 : memref<2048x16xf32, #tpu.memory_space<vmem>>[vector<16xi32>, vector<16xi32>], vector<16xf32>, vector<16xi1>
        tpu.vector_store_idx %arg12[%min3A_94, %broadcast_in_dim3A_15], %gather3A_98 masked %lt3A_77 {add = true} : memref<1024x16xf32, #tpu.memory_space<vmem>>[vector<16xi32>, vector<16xi32>], vector<16xf32>, vector<16xi1>
        %gather3A_99 = tpu.vector_load_idx %arg11[%min3A_88, %broadcast_in_dim3A_17] masked %lt3A_77 : memref<2048x16xf32, #tpu.memory_space<vmem>>[vector<16xi32>, vector<16xi32>], vector<16xf32>, vector<16xi1>
        tpu.vector_store_idx %arg12[%min3A_94, %broadcast_in_dim3A_17], %gather3A_99 masked %lt3A_77 {add = true} : memref<1024x16xf32, #tpu.memory_space<vmem>>[vector<16xi32>, vector<16xi32>], vector<16xf32>, vector<16xi1>
        %gather3A_100 = tpu.vector_load_idx %arg11[%min3A_88, %broadcast_in_dim3A_19] masked %lt3A_77 : memref<2048x16xf32, #tpu.memory_space<vmem>>[vector<16xi32>, vector<16xi32>], vector<16xf32>, vector<16xi1>
        tpu.vector_store_idx %arg12[%min3A_94, %broadcast_in_dim3A_19], %gather3A_100 masked %lt3A_77 {add = true} : memref<1024x16xf32, #tpu.memory_space<vmem>>[vector<16xi32>, vector<16xi32>], vector<16xf32>, vector<16xi1>
        %gather3A_101 = tpu.vector_load_idx %arg11[%min3A_88, %broadcast_in_dim3A_21] masked %lt3A_77 : memref<2048x16xf32, #tpu.memory_space<vmem>>[vector<16xi32>, vector<16xi32>], vector<16xf32>, vector<16xi1>
        tpu.vector_store_idx %arg12[%min3A_94, %broadcast_in_dim3A_21], %gather3A_101 masked %lt3A_77 {add = true} : memref<1024x16xf32, #tpu.memory_space<vmem>>[vector<16xi32>, vector<16xi32>], vector<16xf32>, vector<16xi1>
        %gather3A_102 = tpu.vector_load_idx %arg11[%min3A_88, %broadcast_in_dim3A_23] masked %lt3A_77 : memref<2048x16xf32, #tpu.memory_space<vmem>>[vector<16xi32>, vector<16xi32>], vector<16xf32>, vector<16xi1>
        tpu.vector_store_idx %arg12[%min3A_94, %broadcast_in_dim3A_23], %gather3A_102 masked %lt3A_77 {add = true} : memref<1024x16xf32, #tpu.memory_space<vmem>>[vector<16xi32>, vector<16xi32>], vector<16xf32>, vector<16xi1>
        %gather3A_103 = tpu.vector_load_idx %arg11[%min3A_88, %broadcast_in_dim3A_25] masked %lt3A_77 : memref<2048x16xf32, #tpu.memory_space<vmem>>[vector<16xi32>, vector<16xi32>], vector<16xf32>, vector<16xi1>
        tpu.vector_store_idx %arg12[%min3A_94, %broadcast_in_dim3A_25], %gather3A_103 masked %lt3A_77 {add = true} : memref<1024x16xf32, #tpu.memory_space<vmem>>[vector<16xi32>, vector<16xi32>], vector<16xf32>, vector<16xi1>
        %gather3A_104 = tpu.vector_load_idx %arg11[%min3A_88, %broadcast_in_dim3A_27] masked %lt3A_77 : memref<2048x16xf32, #tpu.memory_space<vmem>>[vector<16xi32>, vector<16xi32>], vector<16xf32>, vector<16xi1>
        tpu.vector_store_idx %arg12[%min3A_94, %broadcast_in_dim3A_27], %gather3A_104 masked %lt3A_77 {add = true} : memref<1024x16xf32, #tpu.memory_space<vmem>>[vector<16xi32>, vector<16xi32>], vector<16xf32>, vector<16xi1>
        %gather3A_105 = tpu.vector_load_idx %arg11[%min3A_88, %broadcast_in_dim3A_29] masked %lt3A_77 : memref<2048x16xf32, #tpu.memory_space<vmem>>[vector<16xi32>, vector<16xi32>], vector<16xf32>, vector<16xi1>
        tpu.vector_store_idx %arg12[%min3A_94, %broadcast_in_dim3A_29], %gather3A_105 masked %lt3A_77 {add = true} : memref<1024x16xf32, #tpu.memory_space<vmem>>[vector<16xi32>, vector<16xi32>], vector<16xf32>, vector<16xi1>
      }
      %while3A_71 = arith.constant 1 : i32
      scf.for %while3A_72 = %while3A_69 to %while3A_65 step %while3A_71  : i32 {
        %mul3A_73 = arith.constant 16 : i32
        %mul3A_74 = arith.muli %while3A_72, %mul3A_73 : i32
        %add3A_75 = vector.broadcast %mul3A_74 : i32 to vector<16xi32>
        %add3A_76 = arith.addi %add3A_75, %iota3A : vector<16xi32>
        %lt3A = vector.broadcast %scan3A_43 : i32 to vector<16xi32>
        %lt3A_77 = arith.cmpi slt, %add3A_76, %lt3A : vector<16xi32>
        %get3A = arith.index_cast %mul3A_74 : i32 to index
        %get3A_78 = tpu.vector_load %arg9[%get3A] {strides = array<i32>} : memref<2064xi32, #tpu.memory_space<vmem>>, vector<16xi32>,
        %sub3A_79 = vector.broadcast %mul3A_4 : i32 to vector<16xi32>
        %sub3A_80 = arith.subi %get3A_78, %sub3A_79 : vector<16xi32>
        %get3A_81 = arith.index_cast %mul3A_74 : i32 to index
        %get3A_82 = tpu.vector_load %arg10[%get3A_81] {strides = array<i32>} : memref<2064xi32, #tpu.memory_space<vmem>>, vector<16xi32>,
        %sub3A_83 = vector.broadcast %mul3A_6 : i32 to vector<16xi32>
        %sub3A_84 = arith.subi %get3A_82, %sub3A_83 : vector<16xi32>
        %max3A = arith.constant 0 : i32
        %max3A_85 = vector.broadcast %max3A : i32 to vector<16xi32>
        %max3A_86 = arith.maxsi %sub3A_80, %max3A_85 : vector<16xi32>
        %min3A = arith.constant 2047 : i32
        %min3A_87 = vector.broadcast %min3A : i32 to vector<16xi32>
        %min3A_88 = arith.minsi %max3A_86, %min3A_87 : vector<16xi32>
        %max3A_89 = arith.constant 0 : i32
        %max3A_90 = vector.broadcast %max3A_89 : i32 to vector<16xi32>
        %max3A_91 = arith.maxsi %sub3A_84, %max3A_90 : vector<16xi32>
        %min3A_92 = arith.constant 1023 : i32
        %min3A_93 = vector.broadcast %min3A_92 : i32 to vector<16xi32>
        %min3A_94 = arith.minsi %max3A_91, %min3A_93 : vector<16xi32>
        %gather3A = tpu.vector_load_idx %arg11[%min3A_88, %broadcast_in_dim3A_7] masked %lt3A_77 : memref<2048x16xf32, #tpu.memory_space<vmem>>[vector<16xi32>, vector<16xi32>], vector<16xf32>, vector<16xi1>
        tpu.vector_store_idx %arg12[%min3A_94, %broadcast_in_dim3A_7], %gather3A masked %lt3A_77 {add = true} : memref<1024x16xf32, #tpu.memory_space<vmem>>[vector<16xi32>, vector<16xi32>], vector<16xf32>, vector<16xi1>
        %gather3A_95 = tpu.vector_load_idx %arg11[%min3A_88, %broadcast_in_dim3A_9] masked %lt3A_77 : memref<2048x16xf32, #tpu.memory_space<vmem>>[vector<16xi32>, vector<16xi32>], vector<16xf32>, vector<16xi1>
        tpu.vector_store_idx %arg12[%min3A_94, %broadcast_in_dim3A_9], %gather3A_95 masked %lt3A_77 {add = true} : memref<1024x16xf32, #tpu.memory_space<vmem>>[vector<16xi32>, vector<16xi32>], vector<16xf32>, vector<16xi1>
        %gather3A_96 = tpu.vector_load_idx %arg11[%min3A_88, %broadcast_in_dim3A_11] masked %lt3A_77 : memref<2048x16xf32, #tpu.memory_space<vmem>>[vector<16xi32>, vector<16xi32>], vector<16xf32>, vector<16xi1>
        tpu.vector_store_idx %arg12[%min3A_94, %broadcast_in_dim3A_11], %gather3A_96 masked %lt3A_77 {add = true} : memref<1024x16xf32, #tpu.memory_space<vmem>>[vector<16xi32>, vector<16xi32>], vector<16xf32>, vector<16xi1>
        %gather3A_97 = tpu.vector_load_idx %arg11[%min3A_88, %broadcast_in_dim3A_13] masked %lt3A_77 : memref<2048x16xf32, #tpu.memory_space<vmem>>[vector<16xi32>, vector<16xi32>], vector<16xf32>, vector<16xi1>
        tpu.vector_store_idx %arg12[%min3A_94, %broadcast_in_dim3A_13], %gather3A_97 masked %lt3A_77 {add = true} : memref<1024x16xf32, #tpu.memory_space<vmem>>[vector<16xi32>, vector<16xi32>], vector<16xf32>, vector<16xi1>
        %gather3A_98 = tpu.vector_load_idx %arg11[%min3A_88, %broadcast_in_dim3A_15] masked %lt3A_77 : memref<2048x16xf32, #tpu.memory_space<vmem>>[vector<16xi32>, vector<16xi32>], vector<16xf32>, vector<16xi1>
        tpu.vector_store_idx %arg12[%min3A_94, %broadcast_in_dim3A_15], %gather3A_98 masked %lt3A_77 {add = true} : memref<1024x16xf32, #tpu.memory_space<vmem>>[vector<16xi32>, vector<16xi32>], vector<16xf32>, vector<16xi1>
        %gather3A_99 = tpu.vector_load_idx %arg11[%min3A_88, %broadcast_in_dim3A_17] masked %lt3A_77 : memref<2048x16xf32, #tpu.memory_space<vmem>>[vector<16xi32>, vector<16xi32>], vector<16xf32>, vector<16xi1>
        tpu.vector_store_idx %arg12[%min3A_94, %broadcast_in_dim3A_17], %gather3A_99 masked %lt3A_77 {add = true} : memref<1024x16xf32, #tpu.memory_space<vmem>>[vector<16xi32>, vector<16xi32>], vector<16xf32>, vector<16xi1>
        %gather3A_100 = tpu.vector_load_idx %arg11[%min3A_88, %broadcast_in_dim3A_19] masked %lt3A_77 : memref<2048x16xf32, #tpu.memory_space<vmem>>[vector<16xi32>, vector<16xi32>], vector<16xf32>, vector<16xi1>
        tpu.vector_store_idx %arg12[%min3A_94, %broadcast_in_dim3A_19], %gather3A_100 masked %lt3A_77 {add = true} : memref<1024x16xf32, #tpu.memory_space<vmem>>[vector<16xi32>, vector<16xi32>], vector<16xf32>, vector<16xi1>
        %gather3A_101 = tpu.vector_load_idx %arg11[%min3A_88, %broadcast_in_dim3A_21] masked %lt3A_77 : memref<2048x16xf32, #tpu.memory_space<vmem>>[vector<16xi32>, vector<16xi32>], vector<16xf32>, vector<16xi1>
        tpu.vector_store_idx %arg12[%min3A_94, %broadcast_in_dim3A_21], %gather3A_101 masked %lt3A_77 {add = true} : memref<1024x16xf32, #tpu.memory_space<vmem>>[vector<16xi32>, vector<16xi32>], vector<16xf32>, vector<16xi1>
        %gather3A_102 = tpu.vector_load_idx %arg11[%min3A_88, %broadcast_in_dim3A_23] masked %lt3A_77 : memref<2048x16xf32, #tpu.memory_space<vmem>>[vector<16xi32>, vector<16xi32>], vector<16xf32>, vector<16xi1>
        tpu.vector_store_idx %arg12[%min3A_94, %broadcast_in_dim3A_23], %gather3A_102 masked %lt3A_77 {add = true} : memref<1024x16xf32, #tpu.memory_space<vmem>>[vector<16xi32>, vector<16xi32>], vector<16xf32>, vector<16xi1>
        %gather3A_103 = tpu.vector_load_idx %arg11[%min3A_88, %broadcast_in_dim3A_25] masked %lt3A_77 : memref<2048x16xf32, #tpu.memory_space<vmem>>[vector<16xi32>, vector<16xi32>], vector<16xf32>, vector<16xi1>
        tpu.vector_store_idx %arg12[%min3A_94, %broadcast_in_dim3A_25], %gather3A_103 masked %lt3A_77 {add = true} : memref<1024x16xf32, #tpu.memory_space<vmem>>[vector<16xi32>, vector<16xi32>], vector<16xf32>, vector<16xi1>
        %gather3A_104 = tpu.vector_load_idx %arg11[%min3A_88, %broadcast_in_dim3A_27] masked %lt3A_77 : memref<2048x16xf32, #tpu.memory_space<vmem>>[vector<16xi32>, vector<16xi32>], vector<16xf32>, vector<16xi1>
        tpu.vector_store_idx %arg12[%min3A_94, %broadcast_in_dim3A_27], %gather3A_104 masked %lt3A_77 {add = true} : memref<1024x16xf32, #tpu.memory_space<vmem>>[vector<16xi32>, vector<16xi32>], vector<16xf32>, vector<16xi1>
        %gather3A_105 = tpu.vector_load_idx %arg11[%min3A_88, %broadcast_in_dim3A_29] masked %lt3A_77 : memref<2048x16xf32, #tpu.memory_space<vmem>>[vector<16xi32>, vector<16xi32>], vector<16xf32>, vector<16xi1>
        tpu.vector_store_idx %arg12[%min3A_94, %broadcast_in_dim3A_29], %gather3A_105 masked %lt3A_77 {add = true} : memref<1024x16xf32, #tpu.memory_space<vmem>>[vector<16xi32>, vector<16xi32>], vector<16xf32>, vector<16xi1>
      }
    }
    %scan3A_34 = arith.constant 8 : i32
    "tpu.region"() ({
      %run_scoped3A = tpu.sem_alloc : memref<!tpu.dma_semaphore, #tpu.memory_space<semaphore_mem>>
      %dma_start3A = arith.constant 0 : i32
      %dma_start3A_35 = tpu.memref_slice %arg6[%mul3A_6, %dma_start3A] : memref<32768x16xf32, #tpu.memory_space<hbm>> -> memref<1024x16xf32, #tpu.memory_space<hbm>>
      %dma_start3A_36 = arith.constant 0 : i32
      %dma_start3A_37 = tpu.memref_slice %arg6[%mul3A_6, %dma_start3A_36] : memref<32768x16xf32, #tpu.memory_space<hbm>> -> memref<1024x16xf32, #tpu.memory_space<hbm>>
      tpu.enqueue_dma source(%arg12 : memref<1024x16xf32, #tpu.memory_space<vmem>>) target(%dma_start3A_37 : memref<1024x16xf32, #tpu.memory_space<hbm>>) target_semaphore(%run_scoped3A : memref<!tpu.dma_semaphore, #tpu.memory_space<semaphore_mem>>)
      %dma_wait3A = arith.constant 0 : i32
      %dma_wait3A_38 = tpu.memref_slice %arg6[%mul3A_6, %dma_wait3A] : memref<32768x16xf32, #tpu.memory_space<hbm>> -> memref<1024x16xf32, #tpu.memory_space<hbm>>
      %dma_wait3A_39 = arith.constant 0 : i32
      %dma_wait3A_40 = tpu.memref_slice %arg6[%mul3A_6, %dma_wait3A_39] : memref<32768x16xf32, #tpu.memory_space<hbm>> -> memref<1024x16xf32, #tpu.memory_space<hbm>>
      tpu.wait_dma2 semaphore(%run_scoped3A : memref<!tpu.dma_semaphore, #tpu.memory_space<semaphore_mem>>) src(%arg12 : memref<1024x16xf32, #tpu.memory_space<vmem>>) dst(%dma_wait3A_40 : memref<1024x16xf32, #tpu.memory_space<hbm>>)
      tpu.yield
    }) : () -> ()
    return
  }
}

#map = affine_map<(d0, d1) -> (0, 0)>
#map1 = affine_map<(d0, d1) -> (0)>
module attributes {stable_mosaic.version = 14 : i64} {
  func.func @body(%arg0: i32, %arg1: i32, %arg2: memref<32768x16xf32, #tpu.memory_space<hbm>>, %arg3: memref<16384xi32, #tpu.memory_space<hbm>>, %arg4: memref<16384xi32, #tpu.memory_space<hbm>>, %arg5: memref<4096x16xf32, #tpu.memory_space<hbm>>, %arg6: memref<65536x16xf32, #tpu.memory_space<hbm>>, %arg7: memref<2048xi32, #tpu.memory_space<vmem>>, %arg8: memref<2048xi32, #tpu.memory_space<vmem>>, %arg9: memref<2064xi32, #tpu.memory_space<vmem>>, %arg10: memref<2064xi32, #tpu.memory_space<vmem>>, %arg11: memref<1024x16xf32, #tpu.memory_space<vmem>>, %arg12: memref<2048x16xf32, #tpu.memory_space<vmem>>) attributes {dimension_semantics = [#tpu.dimension_semantics<core_parallel>, #tpu.dimension_semantics<subcore_parallel>], iteration_bounds = array<i64: 2, 16>, scalar_prefetch = 0 : i64, scratch_operands = 6 : i64, tpu.core_type = #tpu.core_type<sc_vector_subcore>, window_params = [{transform_indices = #map}, {transform_indices = #map1}, {transform_indices = #map1}, {transform_indices = #map}, {transform_indices = #map}]} {
    %mul3A = arith.constant 2 : i32
    %mul3A_0 = arith.muli %arg1, %mul3A : i32
    %add3A = arith.addi %mul3A_0, %arg0 : i32
    %mul3A_1 = arith.constant 16 : i32
    %mul3A_2 = arith.muli %add3A, %mul3A_1 : i32
    %mul3A_3 = arith.constant 64 : i32
    %mul3A_4 = arith.muli %mul3A_2, %mul3A_3 : i32
    %mul3A_5 = arith.constant 128 : i32
    %mul3A_6 = arith.muli %mul3A_2, %mul3A_5 : i32
    %broadcast_in_dim3A = arith.constant 0 : i32
    %broadcast_in_dim3A_7 = vector.broadcast %broadcast_in_dim3A : i32 to vector<16xi32>
    %broadcast_in_dim3A_8 = arith.constant 1 : i32
    %broadcast_in_dim3A_9 = vector.broadcast %broadcast_in_dim3A_8 : i32 to vector<16xi32>
    %broadcast_in_dim3A_10 = arith.constant 2 : i32
    %broadcast_in_dim3A_11 = vector.broadcast %broadcast_in_dim3A_10 : i32 to vector<16xi32>
    %broadcast_in_dim3A_12 = arith.constant 3 : i32
    %broadcast_in_dim3A_13 = vector.broadcast %broadcast_in_dim3A_12 : i32 to vector<16xi32>
    %broadcast_in_dim3A_14 = arith.constant 4 : i32
    %broadcast_in_dim3A_15 = vector.broadcast %broadcast_in_dim3A_14 : i32 to vector<16xi32>
    %broadcast_in_dim3A_16 = arith.constant 5 : i32
    %broadcast_in_dim3A_17 = vector.broadcast %broadcast_in_dim3A_16 : i32 to vector<16xi32>
    %broadcast_in_dim3A_18 = arith.constant 6 : i32
    %broadcast_in_dim3A_19 = vector.broadcast %broadcast_in_dim3A_18 : i32 to vector<16xi32>
    %broadcast_in_dim3A_20 = arith.constant 7 : i32
    %broadcast_in_dim3A_21 = vector.broadcast %broadcast_in_dim3A_20 : i32 to vector<16xi32>
    %broadcast_in_dim3A_22 = arith.constant 8 : i32
    %broadcast_in_dim3A_23 = vector.broadcast %broadcast_in_dim3A_22 : i32 to vector<16xi32>
    %broadcast_in_dim3A_24 = arith.constant 9 : i32
    %broadcast_in_dim3A_25 = vector.broadcast %broadcast_in_dim3A_24 : i32 to vector<16xi32>
    %broadcast_in_dim3A_26 = arith.constant 10 : i32
    %broadcast_in_dim3A_27 = vector.broadcast %broadcast_in_dim3A_26 : i32 to vector<16xi32>
    %broadcast_in_dim3A_28 = arith.constant 11 : i32
    %broadcast_in_dim3A_29 = vector.broadcast %broadcast_in_dim3A_28 : i32 to vector<16xi32>
    %broadcast_in_dim3A_30 = arith.constant 12 : i32
    %broadcast_in_dim3A_31 = vector.broadcast %broadcast_in_dim3A_30 : i32 to vector<16xi32>
    %iota3A = tpu.iota {dimensions = array<i32: 0>} : vector<16xi32>
    "tpu.region"() ({
      %run_scoped3A = tpu.sem_alloc : memref<!tpu.dma_semaphore, #tpu.memory_space<semaphore_mem>>
      %dma_start3A = arith.constant 0 : i32
      %dma_start3A_37 = tpu.memref_slice %arg2[%mul3A_4, %dma_start3A] : memref<32768x16xf32, #tpu.memory_space<hbm>> -> memref<1024x16xf32, #tpu.memory_space<hbm>>
      %dma_start3A_38 = arith.constant 0 : i32
      %dma_start3A_39 = tpu.memref_slice %arg2[%mul3A_4, %dma_start3A_38] : memref<32768x16xf32, #tpu.memory_space<hbm>> -> memref<1024x16xf32, #tpu.memory_space<hbm>>
      tpu.enqueue_dma source(%dma_start3A_39 : memref<1024x16xf32, #tpu.memory_space<hbm>>) target(%arg11 : memref<1024x16xf32, #tpu.memory_space<vmem>>) target_semaphore(%run_scoped3A : memref<!tpu.dma_semaphore, #tpu.memory_space<semaphore_mem>>)
      %dma_wait3A = arith.constant 0 : i32
      %dma_wait3A_40 = tpu.memref_slice %arg2[%mul3A_4, %dma_wait3A] : memref<32768x16xf32, #tpu.memory_space<hbm>> -> memref<1024x16xf32, #tpu.memory_space<hbm>>
      %dma_wait3A_41 = arith.constant 0 : i32
      %dma_wait3A_42 = tpu.memref_slice %arg2[%mul3A_4, %dma_wait3A_41] : memref<32768x16xf32, #tpu.memory_space<hbm>> -> memref<1024x16xf32, #tpu.memory_space<hbm>>
      tpu.wait_dma2 semaphore(%run_scoped3A : memref<!tpu.dma_semaphore, #tpu.memory_space<semaphore_mem>>) src(%dma_wait3A_42 : memref<1024x16xf32, #tpu.memory_space<hbm>>) dst(%arg11 : memref<1024x16xf32, #tpu.memory_space<vmem>>)
      tpu.yield
    }) : () -> ()
    "tpu.region"() ({
      %run_scoped3A = tpu.sem_alloc : memref<!tpu.dma_semaphore, #tpu.memory_space<semaphore_mem>>
      %dma_start3A = arith.constant 0 : i32
      %dma_start3A_37 = arith.constant 0 : i32
      %dma_start3A_38 = tpu.memref_slice %arg5[%dma_start3A, %dma_start3A_37] : memref<4096x16xf32, #tpu.memory_space<hbm>> -> memref<2048x16xf32, #tpu.memory_space<hbm>>
      %dma_start3A_39 = arith.constant 0 : i32
      %dma_start3A_40 = arith.constant 0 : i32
      %dma_start3A_41 = tpu.memref_slice %arg5[%dma_start3A_39, %dma_start3A_40] : memref<4096x16xf32, #tpu.memory_space<hbm>> -> memref<2048x16xf32, #tpu.memory_space<hbm>>
      tpu.enqueue_dma source(%dma_start3A_41 : memref<2048x16xf32, #tpu.memory_space<hbm>>) target(%arg12 : memref<2048x16xf32, #tpu.memory_space<vmem>>) target_semaphore(%run_scoped3A : memref<!tpu.dma_semaphore, #tpu.memory_space<semaphore_mem>>)
      %dma_wait3A = arith.constant 0 : i32
      %dma_wait3A_42 = arith.constant 0 : i32
      %dma_wait3A_43 = tpu.memref_slice %arg5[%dma_wait3A, %dma_wait3A_42] : memref<4096x16xf32, #tpu.memory_space<hbm>> -> memref<2048x16xf32, #tpu.memory_space<hbm>>
      %dma_wait3A_44 = arith.constant 0 : i32
      %dma_wait3A_45 = arith.constant 0 : i32
      %dma_wait3A_46 = tpu.memref_slice %arg5[%dma_wait3A_44, %dma_wait3A_45] : memref<4096x16xf32, #tpu.memory_space<hbm>> -> memref<2048x16xf32, #tpu.memory_space<hbm>>
      tpu.wait_dma2 semaphore(%run_scoped3A : memref<!tpu.dma_semaphore, #tpu.memory_space<semaphore_mem>>) src(%dma_wait3A_46 : memref<2048x16xf32, #tpu.memory_space<hbm>>) dst(%arg12 : memref<2048x16xf32, #tpu.memory_space<vmem>>)
      tpu.yield
    }) : () -> ()
    %scan3A = arith.constant 0 : i32
    %scan3A_32 = arith.constant 0 : i32
    %scan3A_33 = arith.constant 8 : i32
    %scan3A_34 = arith.addi %scan3A_32, %scan3A_33 : i32
    %scan3A_35 = arith.constant 1 : i32
    scf.for %scan3A_37 = %scan3A_32 to %scan3A_34 step %scan3A_35  : i32 {
      %mul3A_38 = arith.constant 2048 : i32
      %mul3A_39 = arith.muli %scan3A_37, %mul3A_38 : i32
      "tpu.region"() ({
        %run_scoped3A = tpu.sem_alloc : memref<!tpu.dma_semaphore, #tpu.memory_space<semaphore_mem>>
        %dma_start3A = tpu.memref_slice %arg3[%mul3A_39] : memref<16384xi32, #tpu.memory_space<hbm>> -> memref<2048xi32, #tpu.memory_space<hbm>>
        %dma_start3A_74 = tpu.memref_slice %arg3[%mul3A_39] : memref<16384xi32, #tpu.memory_space<hbm>> -> memref<2048xi32, #tpu.memory_space<hbm>>
        tpu.enqueue_dma source(%dma_start3A_74 : memref<2048xi32, #tpu.memory_space<hbm>>) target(%arg7 : memref<2048xi32, #tpu.memory_space<vmem>>) target_semaphore(%run_scoped3A : memref<!tpu.dma_semaphore, #tpu.memory_space<semaphore_mem>>)
        %dma_wait3A = tpu.memref_slice %arg3[%mul3A_39] : memref<16384xi32, #tpu.memory_space<hbm>> -> memref<2048xi32, #tpu.memory_space<hbm>>
        %dma_wait3A_75 = tpu.memref_slice %arg3[%mul3A_39] : memref<16384xi32, #tpu.memory_space<hbm>> -> memref<2048xi32, #tpu.memory_space<hbm>>
        tpu.wait_dma2 semaphore(%run_scoped3A : memref<!tpu.dma_semaphore, #tpu.memory_space<semaphore_mem>>) src(%dma_wait3A_75 : memref<2048xi32, #tpu.memory_space<hbm>>) dst(%arg7 : memref<2048xi32, #tpu.memory_space<vmem>>)
        tpu.yield
      }) : () -> ()
      "tpu.region"() ({
        %run_scoped3A = tpu.sem_alloc : memref<!tpu.dma_semaphore, #tpu.memory_space<semaphore_mem>>
        %dma_start3A = tpu.memref_slice %arg4[%mul3A_39] : memref<16384xi32, #tpu.memory_space<hbm>> -> memref<2048xi32, #tpu.memory_space<hbm>>
        %dma_start3A_74 = tpu.memref_slice %arg4[%mul3A_39] : memref<16384xi32, #tpu.memory_space<hbm>> -> memref<2048xi32, #tpu.memory_space<hbm>>
        tpu.enqueue_dma source(%dma_start3A_74 : memref<2048xi32, #tpu.memory_space<hbm>>) target(%arg8 : memref<2048xi32, #tpu.memory_space<vmem>>) target_semaphore(%run_scoped3A : memref<!tpu.dma_semaphore, #tpu.memory_space<semaphore_mem>>)
        %dma_wait3A = tpu.memref_slice %arg4[%mul3A_39] : memref<16384xi32, #tpu.memory_space<hbm>> -> memref<2048xi32, #tpu.memory_space<hbm>>
        %dma_wait3A_75 = tpu.memref_slice %arg4[%mul3A_39] : memref<16384xi32, #tpu.memory_space<hbm>> -> memref<2048xi32, #tpu.memory_space<hbm>>
        tpu.wait_dma2 semaphore(%run_scoped3A : memref<!tpu.dma_semaphore, #tpu.memory_space<semaphore_mem>>) src(%dma_wait3A_75 : memref<2048xi32, #tpu.memory_space<hbm>>) dst(%arg8 : memref<2048xi32, #tpu.memory_space<vmem>>)
        tpu.yield
      }) : () -> ()
      %scan3A_40 = arith.constant 0 : i32
      %scan3A_41 = arith.constant 0 : i32
      %scan3A_42 = arith.constant 128 : i32
      %scan3A_43 = arith.addi %scan3A_41, %scan3A_42 : i32
      %scan3A_44 = arith.constant 1 : i32
      %scan3A_45 = scf.for %scan3A_74 = %scan3A_41 to %scan3A_43 step %scan3A_44 iter_args(%scan3A_75 = %scan3A_40) -> (i32)  : i32 {
        %mul3A_76 = arith.constant 16 : i32
        %mul3A_77 = arith.muli %scan3A_74, %mul3A_76 : i32
        %get3A = arith.index_cast %mul3A_77 : i32 to index
        %get3A_78 = tpu.vector_load %arg7[%get3A] {strides = array<i32>} : memref<2048xi32, #tpu.memory_space<vmem>>, vector<16xi32>,
        %get3A_79 = arith.index_cast %mul3A_77 : i32 to index
        %get3A_80 = tpu.vector_load %arg8[%get3A_79] {strides = array<i32>} : memref<2048xi32, #tpu.memory_space<vmem>>, vector<16xi32>,
        %shift_right_logical3A = arith.constant 6 : i32
        %shift_right_logical3A_81 = vector.broadcast %shift_right_logical3A : i32 to vector<16xi32>
        %shift_right_logical3A_82 = arith.shrui %get3A_78, %shift_right_logical3A_81 : vector<16xi32>
        %ge3A = vector.broadcast %mul3A_2 : i32 to vector<16xi32>
        %ge3A_83 = arith.cmpi sge, %shift_right_logical3A_82, %ge3A : vector<16xi32>
        %add3A_84 = arith.constant 16 : i32
        %add3A_85 = arith.addi %mul3A_2, %add3A_84 : i32
        %lt3A = vector.broadcast %add3A_85 : i32 to vector<16xi32>
        %lt3A_86 = arith.cmpi slt, %shift_right_logical3A_82, %lt3A : vector<16xi32>
        %and3A_87 = arith.andi %ge3A_83, %lt3A_86 : vector<16xi1>
        %swap3A = arith.index_cast %scan3A_75 : i32 to index
        %swap3A_88 = tpu.vector_load %arg9[%swap3A] masked %and3A_87 {strides = array<i32>} : memref<2064xi32, #tpu.memory_space<vmem>>, vector<16xi32>, vector<16xi1>
        tpu.vector_store %arg9[%swap3A], %get3A_78 masked %and3A_87 {strides = array<i32>} : memref<2064xi32, #tpu.memory_space<vmem>>, vector<16xi32>, vector<16xi1>
        %swap3A_89 = arith.index_cast %scan3A_75 : i32 to index
        %swap3A_90 = tpu.vector_load %arg10[%swap3A_89] masked %and3A_87 {strides = array<i32>} : memref<2064xi32, #tpu.memory_space<vmem>>, vector<16xi32>, vector<16xi1>
        tpu.vector_store %arg10[%swap3A_89], %get3A_80 masked %and3A_87 {strides = array<i32>} : memref<2064xi32, #tpu.memory_space<vmem>>, vector<16xi32>, vector<16xi1>
        %all_reduce_population_count3A = tpu.all_reduce %and3A_87 {dim = 0 : i64, kind = #tpu.reduction_kind<sum>} : vector<16xi1> -> vector<16xi32>
        %slice3A = vector.extract_strided_slice %all_reduce_population_count3A {offsets = [0], sizes = [1], strides = [1]} : vector<16xi32> to vector<1xi32>
        %squeeze3A = vector.extract %slice3A[0] : i32 from vector<1xi32>
        %add3A_91 = arith.addi %scan3A_75, %squeeze3A : i32
        scf.yield %add3A_91 : i32
      }
      %scan3A_46 = arith.constant 128 : i32
      %add3A_47 = arith.constant 15 : i32
      %add3A_48 = arith.addi %scan3A_45, %add3A_47 : i32
      %jit3A = arith.constant 16 : i32
      %div3A = arith.divsi %add3A_48, %jit3A : i32
      %sign3A = arith.constant 0 : i32
      %sign3A_49 = arith.cmpi sgt, %add3A_48, %sign3A : i32
      %sign3A_50 = arith.extui %sign3A_49 : i1 to i32
      %sign3A_51 = arith.constant 0 : i32
      %sign3A_52 = arith.cmpi slt, %add3A_48, %sign3A_51 : i32
      %sign3A_53 = arith.extui %sign3A_52 : i1 to i32
      %sign3A_54 = arith.subi %sign3A_50, %sign3A_53 : i32
      %sign3A_55 = arith.constant 0 : i32
      %sign3A_56 = arith.cmpi sgt, %jit3A, %sign3A_55 : i32
      %sign3A_57 = arith.extui %sign3A_56 : i1 to i32
      %sign3A_58 = arith.constant 0 : i32
      %sign3A_59 = arith.cmpi slt, %jit3A, %sign3A_58 : i32
      %sign3A_60 = arith.extui %sign3A_59 : i1 to i32
      %sign3A_61 = arith.subi %sign3A_57, %sign3A_60 : i32
      %ne3A = arith.cmpi ne, %sign3A_54, %sign3A_61 : i32
      %rem3A = arith.remsi %add3A_48, %jit3A : i32
      %ne3A_62 = arith.constant 0 : i32
      %ne3A_63 = arith.cmpi ne, %rem3A, %ne3A_62 : i32
      %and3A = arith.andi %ne3A, %ne3A_63 : i1
      %sub3A = arith.constant 1 : i32
      %sub3A_64 = arith.subi %div3A, %sub3A : i32
      %select_n3A = arith.select %and3A, %sub3A_64, %div3A : i32
      %while3A = arith.constant 0 : i32
      %while3A_65 = arith.constant 0 : i32
      %while3A_66 = arith.subi %select_n3A, %while3A_65 : i32
      %while3A_67 = arith.addi %while3A_65, %while3A_66 : i32
      %while3A_68 = arith.constant 1 : i32
      %while3A_69 = arith.divsi %while3A_66, %while3A_68 : i32
      %while3A_70 = arith.muli %while3A_69, %while3A_68 : i32
      %while3A_71 = arith.addi %while3A_65, %while3A_70 : i32
      %while3A_72 = arith.constant 1 : i32
      scf.for %while3A_74 = %while3A_65 to %while3A_71 step %while3A_72  : i32 {
        %mul3A_75 = arith.constant 16 : i32
        %mul3A_76 = arith.muli %while3A_74, %mul3A_75 : i32
        %add3A_77 = vector.broadcast %mul3A_76 : i32 to vector<16xi32>
        %add3A_78 = arith.addi %add3A_77, %iota3A : vector<16xi32>
        %lt3A = vector.broadcast %scan3A_45 : i32 to vector<16xi32>
        %lt3A_79 = arith.cmpi slt, %add3A_78, %lt3A : vector<16xi32>
        %get3A = arith.index_cast %mul3A_76 : i32 to index
        %get3A_80 = tpu.vector_load %arg9[%get3A] {strides = array<i32>} : memref<2064xi32, #tpu.memory_space<vmem>>, vector<16xi32>,
        %sub3A_81 = vector.broadcast %mul3A_4 : i32 to vector<16xi32>
        %sub3A_82 = arith.subi %get3A_80, %sub3A_81 : vector<16xi32>
        %get3A_83 = arith.index_cast %mul3A_76 : i32 to index
        %get3A_84 = tpu.vector_load %arg10[%get3A_83] {strides = array<i32>} : memref<2064xi32, #tpu.memory_space<vmem>>, vector<16xi32>,
        %sub3A_85 = vector.broadcast %mul3A_6 : i32 to vector<16xi32>
        %sub3A_86 = arith.subi %get3A_84, %sub3A_85 : vector<16xi32>
        %max3A = arith.constant 0 : i32
        %max3A_87 = vector.broadcast %max3A : i32 to vector<16xi32>
        %max3A_88 = arith.maxsi %sub3A_82, %max3A_87 : vector<16xi32>
        %min3A = arith.constant 1023 : i32
        %min3A_89 = vector.broadcast %min3A : i32 to vector<16xi32>
        %min3A_90 = arith.minsi %max3A_88, %min3A_89 : vector<16xi32>
        %max3A_91 = arith.constant 0 : i32
        %max3A_92 = vector.broadcast %max3A_91 : i32 to vector<16xi32>
        %max3A_93 = arith.maxsi %sub3A_86, %max3A_92 : vector<16xi32>
        %min3A_94 = arith.constant 2047 : i32
        %min3A_95 = vector.broadcast %min3A_94 : i32 to vector<16xi32>
        %min3A_96 = arith.minsi %max3A_93, %min3A_95 : vector<16xi32>
        %gather3A = tpu.vector_load_idx %arg11[%min3A_90, %broadcast_in_dim3A_7] masked %lt3A_79 : memref<1024x16xf32, #tpu.memory_space<vmem>>[vector<16xi32>, vector<16xi32>], vector<16xf32>, vector<16xi1>
        tpu.vector_store_idx %arg12[%min3A_96, %broadcast_in_dim3A_7], %gather3A masked %lt3A_79 {add = true} : memref<2048x16xf32, #tpu.memory_space<vmem>>[vector<16xi32>, vector<16xi32>], vector<16xf32>, vector<16xi1>
        %gather3A_97 = tpu.vector_load_idx %arg11[%min3A_90, %broadcast_in_dim3A_9] masked %lt3A_79 : memref<1024x16xf32, #tpu.memory_space<vmem>>[vector<16xi32>, vector<16xi32>], vector<16xf32>, vector<16xi1>
        tpu.vector_store_idx %arg12[%min3A_96, %broadcast_in_dim3A_9], %gather3A_97 masked %lt3A_79 {add = true} : memref<2048x16xf32, #tpu.memory_space<vmem>>[vector<16xi32>, vector<16xi32>], vector<16xf32>, vector<16xi1>
        %gather3A_98 = tpu.vector_load_idx %arg11[%min3A_90, %broadcast_in_dim3A_11] masked %lt3A_79 : memref<1024x16xf32, #tpu.memory_space<vmem>>[vector<16xi32>, vector<16xi32>], vector<16xf32>, vector<16xi1>
        tpu.vector_store_idx %arg12[%min3A_96, %broadcast_in_dim3A_11], %gather3A_98 masked %lt3A_79 {add = true} : memref<2048x16xf32, #tpu.memory_space<vmem>>[vector<16xi32>, vector<16xi32>], vector<16xf32>, vector<16xi1>
        %gather3A_99 = tpu.vector_load_idx %arg11[%min3A_90, %broadcast_in_dim3A_13] masked %lt3A_79 : memref<1024x16xf32, #tpu.memory_space<vmem>>[vector<16xi32>, vector<16xi32>], vector<16xf32>, vector<16xi1>
        tpu.vector_store_idx %arg12[%min3A_96, %broadcast_in_dim3A_13], %gather3A_99 masked %lt3A_79 {add = true} : memref<2048x16xf32, #tpu.memory_space<vmem>>[vector<16xi32>, vector<16xi32>], vector<16xf32>, vector<16xi1>
        %gather3A_100 = tpu.vector_load_idx %arg11[%min3A_90, %broadcast_in_dim3A_15] masked %lt3A_79 : memref<1024x16xf32, #tpu.memory_space<vmem>>[vector<16xi32>, vector<16xi32>], vector<16xf32>, vector<16xi1>
        tpu.vector_store_idx %arg12[%min3A_96, %broadcast_in_dim3A_15], %gather3A_100 masked %lt3A_79 {add = true} : memref<2048x16xf32, #tpu.memory_space<vmem>>[vector<16xi32>, vector<16xi32>], vector<16xf32>, vector<16xi1>
        %gather3A_101 = tpu.vector_load_idx %arg11[%min3A_90, %broadcast_in_dim3A_17] masked %lt3A_79 : memref<1024x16xf32, #tpu.memory_space<vmem>>[vector<16xi32>, vector<16xi32>], vector<16xf32>, vector<16xi1>
        tpu.vector_store_idx %arg12[%min3A_96, %broadcast_in_dim3A_17], %gather3A_101 masked %lt3A_79 {add = true} : memref<2048x16xf32, #tpu.memory_space<vmem>>[vector<16xi32>, vector<16xi32>], vector<16xf32>, vector<16xi1>
        %gather3A_102 = tpu.vector_load_idx %arg11[%min3A_90, %broadcast_in_dim3A_19] masked %lt3A_79 : memref<1024x16xf32, #tpu.memory_space<vmem>>[vector<16xi32>, vector<16xi32>], vector<16xf32>, vector<16xi1>
        tpu.vector_store_idx %arg12[%min3A_96, %broadcast_in_dim3A_19], %gather3A_102 masked %lt3A_79 {add = true} : memref<2048x16xf32, #tpu.memory_space<vmem>>[vector<16xi32>, vector<16xi32>], vector<16xf32>, vector<16xi1>
        %gather3A_103 = tpu.vector_load_idx %arg11[%min3A_90, %broadcast_in_dim3A_21] masked %lt3A_79 : memref<1024x16xf32, #tpu.memory_space<vmem>>[vector<16xi32>, vector<16xi32>], vector<16xf32>, vector<16xi1>
        tpu.vector_store_idx %arg12[%min3A_96, %broadcast_in_dim3A_21], %gather3A_103 masked %lt3A_79 {add = true} : memref<2048x16xf32, #tpu.memory_space<vmem>>[vector<16xi32>, vector<16xi32>], vector<16xf32>, vector<16xi1>
        %gather3A_104 = tpu.vector_load_idx %arg11[%min3A_90, %broadcast_in_dim3A_23] masked %lt3A_79 : memref<1024x16xf32, #tpu.memory_space<vmem>>[vector<16xi32>, vector<16xi32>], vector<16xf32>, vector<16xi1>
        tpu.vector_store_idx %arg12[%min3A_96, %broadcast_in_dim3A_23], %gather3A_104 masked %lt3A_79 {add = true} : memref<2048x16xf32, #tpu.memory_space<vmem>>[vector<16xi32>, vector<16xi32>], vector<16xf32>, vector<16xi1>
        %gather3A_105 = tpu.vector_load_idx %arg11[%min3A_90, %broadcast_in_dim3A_25] masked %lt3A_79 : memref<1024x16xf32, #tpu.memory_space<vmem>>[vector<16xi32>, vector<16xi32>], vector<16xf32>, vector<16xi1>
        tpu.vector_store_idx %arg12[%min3A_96, %broadcast_in_dim3A_25], %gather3A_105 masked %lt3A_79 {add = true} : memref<2048x16xf32, #tpu.memory_space<vmem>>[vector<16xi32>, vector<16xi32>], vector<16xf32>, vector<16xi1>
        %gather3A_106 = tpu.vector_load_idx %arg11[%min3A_90, %broadcast_in_dim3A_27] masked %lt3A_79 : memref<1024x16xf32, #tpu.memory_space<vmem>>[vector<16xi32>, vector<16xi32>], vector<16xf32>, vector<16xi1>
        tpu.vector_store_idx %arg12[%min3A_96, %broadcast_in_dim3A_27], %gather3A_106 masked %lt3A_79 {add = true} : memref<2048x16xf32, #tpu.memory_space<vmem>>[vector<16xi32>, vector<16xi32>], vector<16xf32>, vector<16xi1>
        %gather3A_107 = tpu.vector_load_idx %arg11[%min3A_90, %broadcast_in_dim3A_29] masked %lt3A_79 : memref<1024x16xf32, #tpu.memory_space<vmem>>[vector<16xi32>, vector<16xi32>], vector<16xf32>, vector<16xi1>
        tpu.vector_store_idx %arg12[%min3A_96, %broadcast_in_dim3A_29], %gather3A_107 masked %lt3A_79 {add = true} : memref<2048x16xf32, #tpu.memory_space<vmem>>[vector<16xi32>, vector<16xi32>], vector<16xf32>, vector<16xi1>
        %gather3A_108 = tpu.vector_load_idx %arg11[%min3A_90, %broadcast_in_dim3A_31] masked %lt3A_79 : memref<1024x16xf32, #tpu.memory_space<vmem>>[vector<16xi32>, vector<16xi32>], vector<16xf32>, vector<16xi1>
        tpu.vector_store_idx %arg12[%min3A_96, %broadcast_in_dim3A_31], %gather3A_108 masked %lt3A_79 {add = true} : memref<2048x16xf32, #tpu.memory_space<vmem>>[vector<16xi32>, vector<16xi32>], vector<16xf32>, vector<16xi1>
      }
      %while3A_73 = arith.constant 1 : i32
      scf.for %while3A_74 = %while3A_71 to %while3A_67 step %while3A_73  : i32 {
        %mul3A_75 = arith.constant 16 : i32
        %mul3A_76 = arith.muli %while3A_74, %mul3A_75 : i32
        %add3A_77 = vector.broadcast %mul3A_76 : i32 to vector<16xi32>
        %add3A_78 = arith.addi %add3A_77, %iota3A : vector<16xi32>
        %lt3A = vector.broadcast %scan3A_45 : i32 to vector<16xi32>
        %lt3A_79 = arith.cmpi slt, %add3A_78, %lt3A : vector<16xi32>
        %get3A = arith.index_cast %mul3A_76 : i32 to index
        %get3A_80 = tpu.vector_load %arg9[%get3A] {strides = array<i32>} : memref<2064xi32, #tpu.memory_space<vmem>>, vector<16xi32>,
        %sub3A_81 = vector.broadcast %mul3A_4 : i32 to vector<16xi32>
        %sub3A_82 = arith.subi %get3A_80, %sub3A_81 : vector<16xi32>
        %get3A_83 = arith.index_cast %mul3A_76 : i32 to index
        %get3A_84 = tpu.vector_load %arg10[%get3A_83] {strides = array<i32>} : memref<2064xi32, #tpu.memory_space<vmem>>, vector<16xi32>,
        %sub3A_85 = vector.broadcast %mul3A_6 : i32 to vector<16xi32>
        %sub3A_86 = arith.subi %get3A_84, %sub3A_85 : vector<16xi32>
        %max3A = arith.constant 0 : i32
        %max3A_87 = vector.broadcast %max3A : i32 to vector<16xi32>
        %max3A_88 = arith.maxsi %sub3A_82, %max3A_87 : vector<16xi32>
        %min3A = arith.constant 1023 : i32
        %min3A_89 = vector.broadcast %min3A : i32 to vector<16xi32>
        %min3A_90 = arith.minsi %max3A_88, %min3A_89 : vector<16xi32>
        %max3A_91 = arith.constant 0 : i32
        %max3A_92 = vector.broadcast %max3A_91 : i32 to vector<16xi32>
        %max3A_93 = arith.maxsi %sub3A_86, %max3A_92 : vector<16xi32>
        %min3A_94 = arith.constant 2047 : i32
        %min3A_95 = vector.broadcast %min3A_94 : i32 to vector<16xi32>
        %min3A_96 = arith.minsi %max3A_93, %min3A_95 : vector<16xi32>
        %gather3A = tpu.vector_load_idx %arg11[%min3A_90, %broadcast_in_dim3A_7] masked %lt3A_79 : memref<1024x16xf32, #tpu.memory_space<vmem>>[vector<16xi32>, vector<16xi32>], vector<16xf32>, vector<16xi1>
        tpu.vector_store_idx %arg12[%min3A_96, %broadcast_in_dim3A_7], %gather3A masked %lt3A_79 {add = true} : memref<2048x16xf32, #tpu.memory_space<vmem>>[vector<16xi32>, vector<16xi32>], vector<16xf32>, vector<16xi1>
        %gather3A_97 = tpu.vector_load_idx %arg11[%min3A_90, %broadcast_in_dim3A_9] masked %lt3A_79 : memref<1024x16xf32, #tpu.memory_space<vmem>>[vector<16xi32>, vector<16xi32>], vector<16xf32>, vector<16xi1>
        tpu.vector_store_idx %arg12[%min3A_96, %broadcast_in_dim3A_9], %gather3A_97 masked %lt3A_79 {add = true} : memref<2048x16xf32, #tpu.memory_space<vmem>>[vector<16xi32>, vector<16xi32>], vector<16xf32>, vector<16xi1>
        %gather3A_98 = tpu.vector_load_idx %arg11[%min3A_90, %broadcast_in_dim3A_11] masked %lt3A_79 : memref<1024x16xf32, #tpu.memory_space<vmem>>[vector<16xi32>, vector<16xi32>], vector<16xf32>, vector<16xi1>
        tpu.vector_store_idx %arg12[%min3A_96, %broadcast_in_dim3A_11], %gather3A_98 masked %lt3A_79 {add = true} : memref<2048x16xf32, #tpu.memory_space<vmem>>[vector<16xi32>, vector<16xi32>], vector<16xf32>, vector<16xi1>
        %gather3A_99 = tpu.vector_load_idx %arg11[%min3A_90, %broadcast_in_dim3A_13] masked %lt3A_79 : memref<1024x16xf32, #tpu.memory_space<vmem>>[vector<16xi32>, vector<16xi32>], vector<16xf32>, vector<16xi1>
        tpu.vector_store_idx %arg12[%min3A_96, %broadcast_in_dim3A_13], %gather3A_99 masked %lt3A_79 {add = true} : memref<2048x16xf32, #tpu.memory_space<vmem>>[vector<16xi32>, vector<16xi32>], vector<16xf32>, vector<16xi1>
        %gather3A_100 = tpu.vector_load_idx %arg11[%min3A_90, %broadcast_in_dim3A_15] masked %lt3A_79 : memref<1024x16xf32, #tpu.memory_space<vmem>>[vector<16xi32>, vector<16xi32>], vector<16xf32>, vector<16xi1>
        tpu.vector_store_idx %arg12[%min3A_96, %broadcast_in_dim3A_15], %gather3A_100 masked %lt3A_79 {add = true} : memref<2048x16xf32, #tpu.memory_space<vmem>>[vector<16xi32>, vector<16xi32>], vector<16xf32>, vector<16xi1>
        %gather3A_101 = tpu.vector_load_idx %arg11[%min3A_90, %broadcast_in_dim3A_17] masked %lt3A_79 : memref<1024x16xf32, #tpu.memory_space<vmem>>[vector<16xi32>, vector<16xi32>], vector<16xf32>, vector<16xi1>
        tpu.vector_store_idx %arg12[%min3A_96, %broadcast_in_dim3A_17], %gather3A_101 masked %lt3A_79 {add = true} : memref<2048x16xf32, #tpu.memory_space<vmem>>[vector<16xi32>, vector<16xi32>], vector<16xf32>, vector<16xi1>
        %gather3A_102 = tpu.vector_load_idx %arg11[%min3A_90, %broadcast_in_dim3A_19] masked %lt3A_79 : memref<1024x16xf32, #tpu.memory_space<vmem>>[vector<16xi32>, vector<16xi32>], vector<16xf32>, vector<16xi1>
        tpu.vector_store_idx %arg12[%min3A_96, %broadcast_in_dim3A_19], %gather3A_102 masked %lt3A_79 {add = true} : memref<2048x16xf32, #tpu.memory_space<vmem>>[vector<16xi32>, vector<16xi32>], vector<16xf32>, vector<16xi1>
        %gather3A_103 = tpu.vector_load_idx %arg11[%min3A_90, %broadcast_in_dim3A_21] masked %lt3A_79 : memref<1024x16xf32, #tpu.memory_space<vmem>>[vector<16xi32>, vector<16xi32>], vector<16xf32>, vector<16xi1>
        tpu.vector_store_idx %arg12[%min3A_96, %broadcast_in_dim3A_21], %gather3A_103 masked %lt3A_79 {add = true} : memref<2048x16xf32, #tpu.memory_space<vmem>>[vector<16xi32>, vector<16xi32>], vector<16xf32>, vector<16xi1>
        %gather3A_104 = tpu.vector_load_idx %arg11[%min3A_90, %broadcast_in_dim3A_23] masked %lt3A_79 : memref<1024x16xf32, #tpu.memory_space<vmem>>[vector<16xi32>, vector<16xi32>], vector<16xf32>, vector<16xi1>
        tpu.vector_store_idx %arg12[%min3A_96, %broadcast_in_dim3A_23], %gather3A_104 masked %lt3A_79 {add = true} : memref<2048x16xf32, #tpu.memory_space<vmem>>[vector<16xi32>, vector<16xi32>], vector<16xf32>, vector<16xi1>
        %gather3A_105 = tpu.vector_load_idx %arg11[%min3A_90, %broadcast_in_dim3A_25] masked %lt3A_79 : memref<1024x16xf32, #tpu.memory_space<vmem>>[vector<16xi32>, vector<16xi32>], vector<16xf32>, vector<16xi1>
        tpu.vector_store_idx %arg12[%min3A_96, %broadcast_in_dim3A_25], %gather3A_105 masked %lt3A_79 {add = true} : memref<2048x16xf32, #tpu.memory_space<vmem>>[vector<16xi32>, vector<16xi32>], vector<16xf32>, vector<16xi1>
        %gather3A_106 = tpu.vector_load_idx %arg11[%min3A_90, %broadcast_in_dim3A_27] masked %lt3A_79 : memref<1024x16xf32, #tpu.memory_space<vmem>>[vector<16xi32>, vector<16xi32>], vector<16xf32>, vector<16xi1>
        tpu.vector_store_idx %arg12[%min3A_96, %broadcast_in_dim3A_27], %gather3A_106 masked %lt3A_79 {add = true} : memref<2048x16xf32, #tpu.memory_space<vmem>>[vector<16xi32>, vector<16xi32>], vector<16xf32>, vector<16xi1>
        %gather3A_107 = tpu.vector_load_idx %arg11[%min3A_90, %broadcast_in_dim3A_29] masked %lt3A_79 : memref<1024x16xf32, #tpu.memory_space<vmem>>[vector<16xi32>, vector<16xi32>], vector<16xf32>, vector<16xi1>
        tpu.vector_store_idx %arg12[%min3A_96, %broadcast_in_dim3A_29], %gather3A_107 masked %lt3A_79 {add = true} : memref<2048x16xf32, #tpu.memory_space<vmem>>[vector<16xi32>, vector<16xi32>], vector<16xf32>, vector<16xi1>
        %gather3A_108 = tpu.vector_load_idx %arg11[%min3A_90, %broadcast_in_dim3A_31] masked %lt3A_79 : memref<1024x16xf32, #tpu.memory_space<vmem>>[vector<16xi32>, vector<16xi32>], vector<16xf32>, vector<16xi1>
        tpu.vector_store_idx %arg12[%min3A_96, %broadcast_in_dim3A_31], %gather3A_108 masked %lt3A_79 {add = true} : memref<2048x16xf32, #tpu.memory_space<vmem>>[vector<16xi32>, vector<16xi32>], vector<16xf32>, vector<16xi1>
      }
    }
    %scan3A_36 = arith.constant 8 : i32
    "tpu.region"() ({
      %run_scoped3A = tpu.sem_alloc : memref<!tpu.dma_semaphore, #tpu.memory_space<semaphore_mem>>
      %dma_start3A = arith.constant 0 : i32
      %dma_start3A_37 = tpu.memref_slice %arg6[%mul3A_6, %dma_start3A] : memref<65536x16xf32, #tpu.memory_space<hbm>> -> memref<2048x16xf32, #tpu.memory_space<hbm>>
      %dma_start3A_38 = arith.constant 0 : i32
      %dma_start3A_39 = tpu.memref_slice %arg6[%mul3A_6, %dma_start3A_38] : memref<65536x16xf32, #tpu.memory_space<hbm>> -> memref<2048x16xf32, #tpu.memory_space<hbm>>
      tpu.enqueue_dma source(%arg12 : memref<2048x16xf32, #tpu.memory_space<vmem>>) target(%dma_start3A_39 : memref<2048x16xf32, #tpu.memory_space<hbm>>) target_semaphore(%run_scoped3A : memref<!tpu.dma_semaphore, #tpu.memory_space<semaphore_mem>>)
      %dma_wait3A = arith.constant 0 : i32
      %dma_wait3A_40 = tpu.memref_slice %arg6[%mul3A_6, %dma_wait3A] : memref<65536x16xf32, #tpu.memory_space<hbm>> -> memref<2048x16xf32, #tpu.memory_space<hbm>>
      %dma_wait3A_41 = arith.constant 0 : i32
      %dma_wait3A_42 = tpu.memref_slice %arg6[%mul3A_6, %dma_wait3A_41] : memref<65536x16xf32, #tpu.memory_space<hbm>> -> memref<2048x16xf32, #tpu.memory_space<hbm>>
      tpu.wait_dma2 semaphore(%run_scoped3A : memref<!tpu.dma_semaphore, #tpu.memory_space<semaphore_mem>>) src(%arg12 : memref<2048x16xf32, #tpu.memory_space<vmem>>) dst(%dma_wait3A_42 : memref<2048x16xf32, #tpu.memory_space<hbm>>)
      tpu.yield
    }) : () -> ()
    return
  }
}

module attributes {stable_mosaic.version = 14 : i64} {
  func.func @_proj_body(%arg0: memref<512x768xf32, #tpu.memory_space<vmem>>, %arg1: memref<768x768xf32, #tpu.memory_space<vmem>>, %arg2: memref<768x768xf32, #tpu.memory_space<vmem>>, %arg3: memref<768x768xf32, #tpu.memory_space<vmem>>, %arg4: memref<1x768xf32, #tpu.memory_space<vmem>>, %arg5: memref<1x768xf32, #tpu.memory_space<vmem>>, %arg6: memref<1x768xf32, #tpu.memory_space<vmem>>, %arg7: memref<768x1024xf32, #tpu.memory_space<vmem>>, %arg8: memref<128x128xi32, #tpu.memory_space<vmem>>, %arg9: memref<128x128xi32, #tpu.memory_space<vmem>>, %arg10: memref<128x128xi32, #tpu.memory_space<vmem>>, %arg11: memref<128x128xi32, #tpu.memory_space<vmem>>, %arg12: memref<512x768xf32, #tpu.memory_space<vmem>>, %arg13: memref<512x768xf32, #tpu.memory_space<vmem>>, %arg14: memref<512x768xf32, #tpu.memory_space<vmem>>, %arg15: memref<512x1024xf32, #tpu.memory_space<vmem>>, %arg16: memref<128x128xi32, #tpu.memory_space<vmem>>, %arg17: memref<128x128xi32, #tpu.memory_space<vmem>>) attributes {dimension_semantics = [], scalar_prefetch = 0 : i64, scratch_operands = 0 : i64, tpu.core_type = #tpu.core_type<tc>} {
    %get3A = arith.constant 0 : index
    %get3A_0 = arith.constant 0 : index
    %get3A_1 = vector.load %arg0[%get3A, %get3A_0] : memref<512x768xf32, #tpu.memory_space<vmem>>, vector<512x768xf32>
    %get3A_2 = arith.constant 0 : index
    %get3A_3 = arith.constant 0 : index
    %get3A_4 = vector.load %arg1[%get3A_2, %get3A_3] : memref<768x768xf32, #tpu.memory_space<vmem>>, vector<768x768xf32>
    %dot_general3A = arith.constant dense<0.000000e+00> : vector<512x768xf32>
    %dot_general3A_5 = tpu.matmul %get3A_1, %get3A_4, %dot_general3A {dimension_numbers = #tpu.dot_dimension_numbers<[1], [0], [0], [1], [0, 0, 1, 1], [], []>, transpose_lhs_hint = false} : vector<512x768xf32>, vector<768x768xf32>, vector<512x768xf32> -> vector<512x768xf32>
    %get3A_6 = arith.constant 0 : index
    %get3A_7 = arith.constant 0 : index
    %get3A_8 = vector.load %arg4[%get3A_6, %get3A_7] : memref<1x768xf32, #tpu.memory_space<vmem>>, vector<1x768xf32>
    %add3A = vector.broadcast %get3A_8 : vector<1x768xf32> to vector<512x768xf32>
    %add3A_9 = arith.addf %dot_general3A_5, %add3A : vector<512x768xf32>
    %get3A_10 = arith.constant 0 : index
    %get3A_11 = arith.constant 0 : index
    %get3A_12 = vector.load %arg2[%get3A_10, %get3A_11] : memref<768x768xf32, #tpu.memory_space<vmem>>, vector<768x768xf32>
    %dot_general3A_13 = arith.constant dense<0.000000e+00> : vector<512x768xf32>
    %dot_general3A_14 = tpu.matmul %get3A_1, %get3A_12, %dot_general3A_13 {dimension_numbers = #tpu.dot_dimension_numbers<[1], [0], [0], [1], [0, 0, 1, 1], [], []>, transpose_lhs_hint = false} : vector<512x768xf32>, vector<768x768xf32>, vector<512x768xf32> -> vector<512x768xf32>
    %get3A_15 = arith.constant 0 : index
    %get3A_16 = arith.constant 0 : index
    %get3A_17 = vector.load %arg5[%get3A_15, %get3A_16] : memref<1x768xf32, #tpu.memory_space<vmem>>, vector<1x768xf32>
    %add3A_18 = vector.broadcast %get3A_17 : vector<1x768xf32> to vector<512x768xf32>
    %add3A_19 = arith.addf %dot_general3A_14, %add3A_18 : vector<512x768xf32>
    %get3A_20 = arith.constant 0 : index
    %get3A_21 = arith.constant 0 : index
    %get3A_22 = vector.load %arg3[%get3A_20, %get3A_21] : memref<768x768xf32, #tpu.memory_space<vmem>>, vector<768x768xf32>
    %dot_general3A_23 = arith.constant dense<0.000000e+00> : vector<512x768xf32>
    %dot_general3A_24 = tpu.matmul %get3A_1, %get3A_22, %dot_general3A_23 {dimension_numbers = #tpu.dot_dimension_numbers<[1], [0], [0], [1], [0, 0, 1, 1], [], []>, transpose_lhs_hint = false} : vector<512x768xf32>, vector<768x768xf32>, vector<512x768xf32> -> vector<512x768xf32>
    %get3A_25 = arith.constant 0 : index
    %get3A_26 = arith.constant 0 : index
    %get3A_27 = vector.load %arg6[%get3A_25, %get3A_26] : memref<1x768xf32, #tpu.memory_space<vmem>>, vector<1x768xf32>
    %add3A_28 = vector.broadcast %get3A_27 : vector<1x768xf32> to vector<512x768xf32>
    %add3A_29 = arith.addf %dot_general3A_24, %add3A_28 : vector<512x768xf32>
    %swap3A = arith.constant 0 : index
    %swap3A_30 = arith.constant 0 : index
    %swap3A_31 = vector.load %arg12[%swap3A, %swap3A_30] : memref<512x768xf32, #tpu.memory_space<vmem>>, vector<512x768xf32>
    tpu.vector_store %arg12[%swap3A, %swap3A_30], %add3A_9 {strides = array<i32>} : memref<512x768xf32, #tpu.memory_space<vmem>>, vector<512x768xf32>,
    %swap3A_32 = arith.constant 0 : index
    %swap3A_33 = arith.constant 0 : index
    %swap3A_34 = vector.load %arg13[%swap3A_32, %swap3A_33] : memref<512x768xf32, #tpu.memory_space<vmem>>, vector<512x768xf32>
    tpu.vector_store %arg13[%swap3A_32, %swap3A_33], %add3A_19 {strides = array<i32>} : memref<512x768xf32, #tpu.memory_space<vmem>>, vector<512x768xf32>,
    %swap3A_35 = arith.constant 0 : index
    %swap3A_36 = arith.constant 0 : index
    %swap3A_37 = vector.load %arg14[%swap3A_35, %swap3A_36] : memref<512x768xf32, #tpu.memory_space<vmem>>, vector<512x768xf32>
    tpu.vector_store %arg14[%swap3A_35, %swap3A_36], %add3A_29 {strides = array<i32>} : memref<512x768xf32, #tpu.memory_space<vmem>>, vector<512x768xf32>,
    %get3A_38 = arith.constant 0 : index
    %get3A_39 = arith.constant 0 : index
    %get3A_40 = vector.load %arg7[%get3A_38, %get3A_39] : memref<768x1024xf32, #tpu.memory_space<vmem>>, vector<768x1024xf32>
    %dot_general3A_41 = arith.constant dense<0.000000e+00> : vector<512x1024xf32>
    %dot_general3A_42 = tpu.matmul %add3A_9, %get3A_40, %dot_general3A_41 {dimension_numbers = #tpu.dot_dimension_numbers<[1], [0], [0], [1], [0, 0, 1, 1], [], []>, transpose_lhs_hint = false} : vector<512x768xf32>, vector<768x1024xf32>, vector<512x1024xf32> -> vector<512x1024xf32>
    %iota3A = tpu.iota {dimensions = array<i32: 1>} : vector<512x1024xi32>
    %jit3A = arith.constant 16 : i32
    %eq3A = arith.constant 0 : i32
    %eq3A_43 = arith.cmpi eq, %jit3A, %eq3A : i32
    %jit3A_44 = arith.constant 1 : i32
    %select_n3A = arith.select %eq3A_43, %jit3A_44, %jit3A : i32
    %rem3A = vector.broadcast %select_n3A : i32 to vector<512x1024xi32>
    %rem3A_45 = arith.remsi %iota3A, %rem3A : vector<512x1024xi32>
    %ne3A = arith.constant 0 : i32
    %ne3A_46 = vector.broadcast %ne3A : i32 to vector<512x1024xi32>
    %ne3A_47 = arith.cmpi ne, %rem3A_45, %ne3A_46 : vector<512x1024xi32>
    %lt3A = arith.constant 0 : i32
    %lt3A_48 = vector.broadcast %lt3A : i32 to vector<512x1024xi32>
    %lt3A_49 = arith.cmpi slt, %rem3A_45, %lt3A_48 : vector<512x1024xi32>
    %lt3A_50 = arith.constant 0 : i32
    %lt3A_51 = arith.cmpi slt, %select_n3A, %lt3A_50 : i32
    %ne3A_52 = vector.broadcast %lt3A_51 : i1 to vector<512x1024xi1>
    %ne3A_53 = vector.broadcast %ne3A_52 : vector<512x1024xi1> to vector<512x1024xi1>
    %ne3A_54 = arith.xori %lt3A_49, %ne3A_53 : vector<512x1024xi1>
    %and3A = arith.andi %ne3A_54, %ne3A_47 : vector<512x1024xi1>
    %add3A_55 = vector.broadcast %select_n3A : i32 to vector<512x1024xi32>
    %add3A_56 = arith.addi %rem3A_45, %add3A_55 : vector<512x1024xi32>
    %select_n3A_57 = arith.select %and3A, %add3A_56, %rem3A_45 : vector<512x1024xi1>, vector<512x1024xi32>
    %eq3A_58 = arith.constant 12 : i32
    %eq3A_59 = vector.broadcast %eq3A_58 : i32 to vector<512x1024xi32>
    %eq3A_60 = arith.cmpi eq, %select_n3A_57, %eq3A_59 : vector<512x1024xi32>
    %jit3A_61 = arith.constant 1.000000e+00 : f32
    %jit3A_62 = arith.constant 0.000000e+00 : f32
    %broadcast_in_dim3A = vector.broadcast %jit3A_61 : f32 to vector<512x1024xf32>
    %broadcast_in_dim3A_63 = vector.broadcast %jit3A_62 : f32 to vector<512x1024xf32>
    %select_n3A_64 = arith.select %eq3A_60, %broadcast_in_dim3A, %broadcast_in_dim3A_63 : vector<512x1024xi1>, vector<512x1024xf32>
    %add3A_65 = arith.addf %dot_general3A_42, %select_n3A_64 : vector<512x1024xf32>
    %swap3A_66 = arith.constant 0 : index
    %swap3A_67 = arith.constant 0 : index
    %swap3A_68 = vector.load %arg15[%swap3A_66, %swap3A_67] : memref<512x1024xf32, #tpu.memory_space<vmem>>, vector<512x1024xf32>
    tpu.vector_store %arg15[%swap3A_66, %swap3A_67], %add3A_65 {strides = array<i32>} : memref<512x1024xf32, #tpu.memory_space<vmem>>, vector<512x1024xf32>,
    %get3A_69 = arith.constant 0 : index
    %get3A_70 = arith.constant 0 : index
    %get3A_71 = vector.load %arg8[%get3A_69, %get3A_70] : memref<128x128xi32, #tpu.memory_space<vmem>>, vector<128x128xi32>
    %mul3A = arith.constant 128 : i32
    %mul3A_72 = vector.broadcast %mul3A : i32 to vector<128x128xi32>
    %mul3A_73 = arith.muli %get3A_71, %mul3A_72 : vector<128x128xi32>
    %get3A_74 = arith.constant 0 : index
    %get3A_75 = arith.constant 0 : index
    %get3A_76 = vector.load %arg9[%get3A_74, %get3A_75] : memref<128x128xi32, #tpu.memory_space<vmem>>, vector<128x128xi32>
    %add3A_77 = arith.addi %mul3A_73, %get3A_76 : vector<128x128xi32>
    %mul3A_78 = arith.constant 64 : i32
    %mul3A_79 = vector.broadcast %mul3A_78 : i32 to vector<128x128xi32>
    %mul3A_80 = arith.muli %add3A_77, %mul3A_79 : vector<128x128xi32>
    %get3A_81 = arith.constant 0 : index
    %get3A_82 = arith.constant 0 : index
    %get3A_83 = vector.load %arg11[%get3A_81, %get3A_82] : memref<128x128xi32, #tpu.memory_space<vmem>>, vector<128x128xi32>
    %add3A_84 = arith.addi %mul3A_80, %get3A_83 : vector<128x128xi32>
    %swap3A_85 = arith.constant 0 : index
    %swap3A_86 = arith.constant 0 : index
    %swap3A_87 = vector.load %arg16[%swap3A_85, %swap3A_86] : memref<128x128xi32, #tpu.memory_space<vmem>>, vector<128x128xi32>
    tpu.vector_store %arg16[%swap3A_85, %swap3A_86], %add3A_84 {strides = array<i32>} : memref<128x128xi32, #tpu.memory_space<vmem>>, vector<128x128xi32>,
    %mul3A_88 = arith.constant 128 : i32
    %mul3A_89 = vector.broadcast %mul3A_88 : i32 to vector<128x128xi32>
    %mul3A_90 = arith.muli %add3A_77, %mul3A_89 : vector<128x128xi32>
    %get3A_91 = arith.constant 0 : index
    %get3A_92 = arith.constant 0 : index
    %get3A_93 = vector.load %arg10[%get3A_91, %get3A_92] : memref<128x128xi32, #tpu.memory_space<vmem>>, vector<128x128xi32>
    %add3A_94 = arith.addi %mul3A_90, %get3A_93 : vector<128x128xi32>
    %swap3A_95 = arith.constant 0 : index
    %swap3A_96 = arith.constant 0 : index
    %swap3A_97 = vector.load %arg17[%swap3A_95, %swap3A_96] : memref<128x128xi32, #tpu.memory_space<vmem>>, vector<128x128xi32>
    tpu.vector_store %arg17[%swap3A_95, %swap3A_96], %add3A_94 {strides = array<i32>} : memref<128x128xi32, #tpu.memory_space<vmem>>, vector<128x128xi32>,
    return
  }
}

module attributes {stable_mosaic.version = 14 : i64} {
  func.func @_attn_body(%arg0: i32, %arg1: i32, %arg2: memref<1x1x128x64xf32, #tpu.memory_space<vmem>>, %arg3: memref<1x1x128x64xf32, #tpu.memory_space<vmem>>, %arg4: memref<1x1x128x64xf32, #tpu.memory_space<vmem>>, %arg5: memref<1x1x128x128xf32, #tpu.memory_space<vmem>>, %arg6: memref<1x128x128xf32, #tpu.memory_space<vmem>>, %arg7: memref<1x1x128x64xf32, #tpu.memory_space<vmem>>, %arg8: memref<1x1x128x128xf32, #tpu.memory_space<vmem>>) attributes {dimension_semantics = [#tpu.dimension_semantics<arbitrary>, #tpu.dimension_semantics<arbitrary>], iteration_bounds = array<i64: 4, 12>, scalar_prefetch = 0 : i64, scratch_operands = 0 : i64, tpu.core_type = #tpu.core_type<tc>, window_params = [{transform_indices = @transform_0, window_bounds = array<i64: 1, 1, 128, 64>}, {transform_indices = @transform_1, window_bounds = array<i64: 1, 1, 128, 64>}, {transform_indices = @transform_2, window_bounds = array<i64: 1, 1, 128, 64>}, {transform_indices = @transform_3, window_bounds = array<i64: 1, 1, 128, 128>}, {transform_indices = @transform_4, window_bounds = array<i64: 1, 128, 128>}, {transform_indices = @transform_5, window_bounds = array<i64: 1, 1, 128, 64>}, {transform_indices = @transform_6, window_bounds = array<i64: 1, 1, 128, 128>}]} {
    %get3A = arith.constant 0 : index
    %get3A_0 = arith.constant 0 : index
    %get3A_1 = arith.constant 0 : index
    %get3A_2 = arith.constant 0 : index
    %get3A_3 = vector.load %arg2[%get3A, %get3A_0, %get3A_1, %get3A_2] : memref<1x1x128x64xf32, #tpu.memory_space<vmem>>, vector<1x1x128x64xf32>
    %get3A_4 = vector.shape_cast %get3A_3 : vector<1x1x128x64xf32> to vector<128x64xf32>
    %get3A_5 = arith.constant 0 : index
    %get3A_6 = arith.constant 0 : index
    %get3A_7 = arith.constant 0 : index
    %get3A_8 = arith.constant 0 : index
    %get3A_9 = vector.load %arg3[%get3A_5, %get3A_6, %get3A_7, %get3A_8] : memref<1x1x128x64xf32, #tpu.memory_space<vmem>>, vector<1x1x128x64xf32>
    %get3A_10 = vector.shape_cast %get3A_9 : vector<1x1x128x64xf32> to vector<128x64xf32>
    %dot_general3A = arith.constant dense<0.000000e+00> : vector<128x128xf32>
    %dot_general3A_11 = tpu.matmul %get3A_4, %get3A_10, %dot_general3A {dimension_numbers = #tpu.dot_dimension_numbers<[1], [1], [0], [0], [0, 0, 1, 0], [], []>, transpose_lhs_hint = false} : vector<128x64xf32>, vector<128x64xf32>, vector<128x128xf32> -> vector<128x128xf32>
    %get3A_12 = arith.constant 0 : index
    %get3A_13 = arith.constant 0 : index
    %get3A_14 = arith.constant 0 : index
    %get3A_15 = arith.constant 0 : index
    %get3A_16 = vector.load %arg5[%get3A_12, %get3A_13, %get3A_14, %get3A_15] : memref<1x1x128x128xf32, #tpu.memory_space<vmem>>, vector<1x1x128x128xf32>
    %get3A_17 = vector.shape_cast %get3A_16 : vector<1x1x128x128xf32> to vector<128x128xf32>
    %add3A = arith.addf %dot_general3A_11, %get3A_17 : vector<128x128xf32>
    %mul3A = arith.constant 1.250000e-01 : f32
    %mul3A_18 = vector.broadcast %mul3A : f32 to vector<128x128xf32>
    %mul3A_19 = arith.mulf %add3A, %mul3A_18 : vector<128x128xf32>
    %get3A_20 = arith.constant 0 : index
    %get3A_21 = arith.constant 0 : index
    %get3A_22 = arith.constant 0 : index
    %get3A_23 = vector.load %arg6[%get3A_20, %get3A_21, %get3A_22] : memref<1x128x128xf32, #tpu.memory_space<vmem>>, vector<1x128x128xf32>
    %get3A_24 = vector.shape_cast %get3A_23 : vector<1x128x128xf32> to vector<128x128xf32>
    %gt3A = arith.constant 5.000000e-01 : f32
    %gt3A_25 = vector.broadcast %gt3A : f32 to vector<128x128xf32>
    %gt3A_26 = arith.cmpf ogt, %get3A_24, %gt3A_25 : vector<128x128xf32>
    %jit3A = arith.constant -1.000000e+30 : f32
    %broadcast_in_dim3A = vector.broadcast %jit3A : f32 to vector<128x128xf32>
    %select_n3A = arith.select %gt3A_26, %mul3A_19, %broadcast_in_dim3A : vector<128x128xi1>, vector<128x128xf32>
    %reduce_max3A = arith.constant dense<0xFF800000> : vector<128xf32>
    %reduce_max3A_27 = vector.multi_reduction <maximumf>, %select_n3A, %reduce_max3A [1] : vector<128x128xf32> to vector<128xf32>
    %broadcast_in_dim3A_28 = vector.shape_cast %reduce_max3A_27 : vector<128xf32> to vector<128x1xf32>
    %lt3A = arith.constant -1.000000e+29 : f32
    %lt3A_29 = vector.broadcast %lt3A : f32 to vector<128x1xf32>
    %lt3A_30 = arith.cmpf olt, %broadcast_in_dim3A_28, %lt3A_29 : vector<128x1xf32>
    %jit3A_31 = arith.constant 0.000000e+00 : f32
    %broadcast_in_dim3A_32 = vector.broadcast %jit3A_31 : f32 to vector<128x1xf32>
    %select_n3A_33 = arith.select %lt3A_30, %broadcast_in_dim3A_32, %broadcast_in_dim3A_28 : vector<128x1xi1>, vector<128x1xf32>
    %sub3A = vector.broadcast %select_n3A_33 : vector<128x1xf32> to vector<128x128xf32>
    %sub3A_34 = arith.subf %mul3A_19, %sub3A : vector<128x128xf32>
    %exp3A = math.exp %sub3A_34 : vector<128x128xf32>
    %convert_element_type3A = arith.extui %gt3A_26 : vector<128x128xi1> to vector<128x128xi32>
    %convert_element_type3A_35 = arith.sitofp %convert_element_type3A : vector<128x128xi32> to vector<128x128xf32>
    %mul3A_36 = arith.mulf %exp3A, %convert_element_type3A_35 : vector<128x128xf32>
    %reduce_sum3A = arith.constant dense<0.000000e+00> : vector<128xf32>
    %reduce_sum3A_37 = vector.multi_reduction <add>, %mul3A_36, %reduce_sum3A [1] : vector<128x128xf32> to vector<128xf32>
    %broadcast_in_dim3A_38 = vector.shape_cast %reduce_sum3A_37 : vector<128xf32> to vector<128x1xf32>
    %max3A = arith.constant 1.000000e-30 : f32
    %max3A_39 = vector.broadcast %max3A : f32 to vector<128x1xf32>
    %max3A_40 = arith.maximumf %broadcast_in_dim3A_38, %max3A_39 : vector<128x1xf32>
    %div3A = vector.broadcast %max3A_40 : vector<128x1xf32> to vector<128x128xf32>
    %div3A_41 = arith.divf %mul3A_36, %div3A : vector<128x128xf32>
    %swap3A = arith.constant 0 : index
    %swap3A_42 = arith.constant 0 : index
    %swap3A_43 = arith.constant 0 : index
    %swap3A_44 = arith.constant 0 : index
    %swap3A_45 = vector.load %arg8[%swap3A, %swap3A_42, %swap3A_43, %swap3A_44] : memref<1x1x128x128xf32, #tpu.memory_space<vmem>>, vector<1x1x128x128xf32>
    %swap3A_46 = vector.shape_cast %swap3A_45 : vector<1x1x128x128xf32> to vector<128x128xf32>
    %swap3A_47 = vector.shape_cast %div3A_41 : vector<128x128xf32> to vector<1x1x128x128xf32>
    tpu.vector_store %arg8[%swap3A, %swap3A_42, %swap3A_43, %swap3A_44], %swap3A_47 {strides = array<i32>} : memref<1x1x128x128xf32, #tpu.memory_space<vmem>>, vector<1x1x128x128xf32>,
    %get3A_48 = arith.constant 0 : index
    %get3A_49 = arith.constant 0 : index
    %get3A_50 = arith.constant 0 : index
    %get3A_51 = arith.constant 0 : index
    %get3A_52 = vector.load %arg4[%get3A_48, %get3A_49, %get3A_50, %get3A_51] : memref<1x1x128x64xf32, #tpu.memory_space<vmem>>, vector<1x1x128x64xf32>
    %get3A_53 = vector.shape_cast %get3A_52 : vector<1x1x128x64xf32> to vector<128x64xf32>
    %dot_general3A_54 = arith.constant dense<0.000000e+00> : vector<128x64xf32>
    %dot_general3A_55 = tpu.matmul %div3A_41, %get3A_53, %dot_general3A_54 {dimension_numbers = #tpu.dot_dimension_numbers<[1], [0], [0], [1], [0, 0, 1, 1], [], []>, transpose_lhs_hint = false} : vector<128x128xf32>, vector<128x64xf32>, vector<128x64xf32> -> vector<128x64xf32>
    %swap3A_56 = arith.constant 0 : index
    %swap3A_57 = arith.constant 0 : index
    %swap3A_58 = arith.constant 0 : index
    %swap3A_59 = arith.constant 0 : index
    %swap3A_60 = vector.load %arg7[%swap3A_56, %swap3A_57, %swap3A_58, %swap3A_59] : memref<1x1x128x64xf32, #tpu.memory_space<vmem>>, vector<1x1x128x64xf32>
    %swap3A_61 = vector.shape_cast %swap3A_60 : vector<1x1x128x64xf32> to vector<128x64xf32>
    %swap3A_62 = vector.shape_cast %dot_general3A_55 : vector<128x64xf32> to vector<1x1x128x64xf32>
    tpu.vector_store %arg7[%swap3A_56, %swap3A_57, %swap3A_58, %swap3A_59], %swap3A_62 {strides = array<i32>} : memref<1x1x128x64xf32, #tpu.memory_space<vmem>>, vector<1x1x128x64xf32>,
    return
  }
  func.func @transform_0(%arg0: i32, %arg1: i32) -> (i32, i32, i32, i32) {
    %c0_i32 = arith.constant 0 : i32
    %c0_i32_0 = arith.constant 0 : i32
    %c0_i32_1 = arith.constant 0 : i32
    return %arg0, %arg1, %c0_i32, %c0_i32_0 : i32, i32, i32, i32
  }
  func.func @transform_1(%arg0: i32, %arg1: i32) -> (i32, i32, i32, i32) {
    %c0_i32 = arith.constant 0 : i32
    %c0_i32_0 = arith.constant 0 : i32
    %c0_i32_1 = arith.constant 0 : i32
    return %arg0, %arg1, %c0_i32, %c0_i32_0 : i32, i32, i32, i32
  }
  func.func @transform_2(%arg0: i32, %arg1: i32) -> (i32, i32, i32, i32) {
    %c0_i32 = arith.constant 0 : i32
    %c0_i32_0 = arith.constant 0 : i32
    %c0_i32_1 = arith.constant 0 : i32
    return %arg0, %arg1, %c0_i32, %c0_i32_0 : i32, i32, i32, i32
  }
  func.func @transform_3(%arg0: i32, %arg1: i32) -> (i32, i32, i32, i32) {
    %c0_i32 = arith.constant 0 : i32
    %c0_i32_0 = arith.constant 0 : i32
    %c0_i32_1 = arith.constant 0 : i32
    return %arg0, %arg1, %c0_i32, %c0_i32_0 : i32, i32, i32, i32
  }
  func.func @transform_4(%arg0: i32, %arg1: i32) -> (i32, i32, i32) {
    %c0_i32 = arith.constant 0 : i32
    %c0_i32_0 = arith.constant 0 : i32
    %c0_i32_1 = arith.constant 0 : i32
    return %arg0, %c0_i32, %c0_i32_0 : i32, i32, i32
  }
  func.func @transform_5(%arg0: i32, %arg1: i32) -> (i32, i32, i32, i32) {
    %c0_i32 = arith.constant 0 : i32
    %c0_i32_0 = arith.constant 0 : i32
    %c0_i32_1 = arith.constant 0 : i32
    return %arg0, %arg1, %c0_i32, %c0_i32_0 : i32, i32, i32, i32
  }
  func.func @transform_6(%arg0: i32, %arg1: i32) -> (i32, i32, i32, i32) {
    %c0_i32 = arith.constant 0 : i32
    %c0_i32_0 = arith.constant 0 : i32
    %c0_i32_1 = arith.constant 0 : i32
    return %arg0, %arg1, %c0_i32, %c0_i32_0 : i32, i32, i32, i32
  }
}

module attributes {stable_mosaic.version = 14 : i64} {
  func.func @_final_body(%arg0: memref<512x1024xf32, #tpu.memory_space<vmem>>, %arg1: memref<1024x768xf32, #tpu.memory_space<vmem>>, %arg2: memref<512x768xf32, #tpu.memory_space<vmem>>, %arg3: memref<512x768xf32, #tpu.memory_space<vmem>>) attributes {dimension_semantics = [], scalar_prefetch = 0 : i64, scratch_operands = 0 : i64, tpu.core_type = #tpu.core_type<tc>} {
    %get3A = arith.constant 0 : index
    %get3A_0 = arith.constant 0 : index
    %get3A_1 = vector.load %arg2[%get3A, %get3A_0] : memref<512x768xf32, #tpu.memory_space<vmem>>, vector<512x768xf32>
    %get3A_2 = arith.constant 0 : index
    %get3A_3 = arith.constant 0 : index
    %get3A_4 = vector.load %arg0[%get3A_2, %get3A_3] : memref<512x1024xf32, #tpu.memory_space<vmem>>, vector<512x1024xf32>
    %get3A_5 = arith.constant 0 : index
    %get3A_6 = arith.constant 0 : index
    %get3A_7 = vector.load %arg1[%get3A_5, %get3A_6] : memref<1024x768xf32, #tpu.memory_space<vmem>>, vector<1024x768xf32>
    %dot_general3A = arith.constant dense<0.000000e+00> : vector<512x768xf32>
    %dot_general3A_8 = tpu.matmul %get3A_4, %get3A_7, %dot_general3A {dimension_numbers = #tpu.dot_dimension_numbers<[1], [0], [0], [1], [0, 0, 1, 1], [], []>, transpose_lhs_hint = false} : vector<512x1024xf32>, vector<1024x768xf32>, vector<512x768xf32> -> vector<512x768xf32>
    %add3A = arith.addf %get3A_1, %dot_general3A_8 : vector<512x768xf32>
    %swap3A = arith.constant 0 : index
    %swap3A_9 = arith.constant 0 : index
    %swap3A_10 = vector.load %arg3[%swap3A, %swap3A_9] : memref<512x768xf32, #tpu.memory_space<vmem>>, vector<512x768xf32>
    tpu.vector_store %arg3[%swap3A, %swap3A_9], %add3A {strides = array<i32>} : memref<512x768xf32, #tpu.memory_space<vmem>>, vector<512x768xf32>,
    return
  }
}

</mosaic_0001>

<sc_bundles>
// kernel: kernel.10.cloned.1.call-start
scs
__scs_entry_jumppad:
0x0: {  	(pc) =	sbr.rel $0x88, $3  }
0x1: {  	(tag) =	ssettag $0x0;
	lr =	simm.s32 $0x1  }
0x2: {  	[smem:$0x3F97] =	sst lr;
	_ =	strace $0xD0000000  }
0x3: {  	_ = 	snop  }
0x4: {  	_ = 	snop  }
0x5: {  	_ = 	snop  }
0x6: {  	_ = 	snop  }
0x7: {  	_ = 	snop  }
__scs_overlays_trampoline_lowered:
0x8: {  	[smem:$0x3FA6] =	sst s0  }
0x9: {  	[smem:$0x3FA7] =	sst s1  }
0xa: {  	[smem:$0x3FA8] =	sst s2  }
0xb: {  	[smem:$0x3FA9] =	sst s3  }
0xc: {  	[smem:$0x3FAA] =	sst s4  }
0xd: {  	[smem:$0x3FAB] =	sst s5  }
0xe: {  	[smem:$0x3FAC] =	sst s6  }
0xf: {  	[smem:$0x3FAD] =	sst s7  }
0x10: {  	[smem:$0x3FAE] =	sst s8  }
0x11: {  	[smem:$0x3FAF] =	sst s9;
	s0 =	simm.s32 @!p0 $0x0  }
0x12: {  	s1 =	sld [smem:$0x3F95];
	s0 =	simm.s32 @p0 $0x1  }
0x13: {  	[smem:$0x3FB0] =	sst s0;
	s0 =	simm.s32 @!p1 $0x0  }
0x14: {  	s2 =	sld [smem:$0x3F94];
	s0 =	simm.s32 @p1 $0x1  }
0x15: {  	[smem:$0x3FB1] =	sst s0;
	s0 =	simm.s32 @!p2 $0x0  }
0x16: {  	s3 =	sld [smem:$0x3FDB];
	s0 =	simm.s32 @p2 $0x1  }
0x17: {  	s4 =	simm.s32 $0x1BF5;
	[smem:$0x3FB3] =	sst s0  }
0x18: {  	s0 =	sld [smem:$0x3F96];
	_ =	swait.ge [sflag:s4], $0x0  }
0x19: {  	s7 =	sld [smem:$0x3F97]  }
0x1a: {  	s8 =	sadd.s32 $0xFFFFE003, lr  }
0x1b: {  	s9 =	sadd.s32 $0xFFFFFEF7, lr;
	s5 =	simm.s32 $0xFFFFFFFF;
	p2 =	slt.u32 s8, $0xFFFFF086  }
0x1c: {  	p1 =	slt.u32 s9, $0xF7A;
	s5 =	simm.s32 @!p2 $0x0  }
0x1d: {  	s5 =	simm.s32 @p1 $0x1;
	p0 =	seq.s32 s7, s2  }
0x1e: {  	s7 =	smul.u32 @!p0 $0xF7A, s2;
	p2 =	seq.s32 @!p0 s5, $0x0  }
0x1f: {  	s9 =	smul.u32 $0xF7A, s1;
	s8 =	simm.s32 @!p0 $0x1BF5;
	p2 =	por !p2, p0  }
0x20: {  	[sflag:s8] =	ssyncset.s32 @!p0 $0xFFFFF086;
	s6 =	sadd.s32 @!p0 s3, s7;
	s7 =	simm.s32 @!p0 $0x108  }
0x21: {  	s3 =	sadd.s32 s3, s9;
	s6 =	sadd.s32 @!p0 $0x88, s6;
	s7 =	simm.s32 @p2 $0x1082  }
0x22: {  	[simem:s7], [sflag:s8] =	dma.local @!p0 [hbm:s6], $0xF7A  }
0x23: {  	s9 =	sor.u32 $0xD0000000, s2;
	s6 =	simm.s32 $0x108;
	_ =	swait.ge @!p0 [sflag:s8], $0x0  }
0x24: {  	s3 =	sadd.s32 $0x88, s3;
	s6 =	simm.s32 @!p1 $0x1082;
	[sflag:s4] =	ssyncset.s32 $0xFFFFF086  }
0x25: {  	[simem:s6], [sflag:s4] =	dma.local [hbm:s3], $0xF7A  }
0x26: {  	[smem:$0x3F97] =	sst s1;
	(tag) =	ssettag s2;
	_ =	strace s9  }
0x27: {  	s1 =	sld [smem:$0x3FA7]  }
0x28: {  	s2 =	sld [smem:$0x3FA8]  }
0x29: {  	s4 =	sld [smem:$0x3FAA]  }
0x2a: {  	p0 =	seq.s32 s5, $0x0;
	s5 =	sld [smem:$0x3FAB]  }
0x2b: {  	s6 =	sld [smem:$0x3FAC]  }
0x2c: {  	s7 =	sld [smem:$0x3FAD]  }
0x2d: {  	s3 =	simm.s32 $0x108;
	s8 =	sld [smem:$0x3FAE]  }
0x2e: {  	s3 =	simm.s32 @!p0 $0x1082;
	s9 =	sld [smem:$0x3FAF]  }
0x2f: {  	lr =	sadd.s32 s0, s3;
	s0 =	sld [smem:$0x3FA6]  }
0x30: {  	s3 =	sld [smem:$0x3FA9]  }
0x31: {  	[smem:$0x3FB2] =	sst s10  }
0x32: {  	s10 =	sld [smem:$0x3FB0];
	_ =	sdelay $0x3  }
0x33: {  	p0 =	seq.s32 s10, $0x1;
	s10 =	sld [smem:$0x3FB2];
	_ =	sdelay $0x3  }
0x34: {  	[smem:$0x3FB2] =	sst s10  }
0x35: {  	s10 =	sld [smem:$0x3FB1];
	_ =	sdelay $0x3  }
0x36: {  	p1 =	seq.s32 s10, $0x1;
	s10 =	sld [smem:$0x3FB2];
	_ =	sdelay $0x3  }
0x37: {  	[smem:$0x3FB2] =	sst s10  }
0x38: {  	s10 =	sld [smem:$0x3FB3]  }
0x39: {  	_ = 	snop;
	(pc) =	sbr.ind lr, $3  }
0x3a: {  	_ = 	snop  }
0x3b: {  	_ = 	snop  }
0x3c: {  	p2 =	seq.s32 s10, $0x1;
	s10 =	sld [smem:$0x3FB2]  }
0x3d: {  	_ =	shalt  }
0x3e: {  	_ =	shalt  }
0x3f: {  	_ =	shalt  }
0x40: {  	_ =	shalt  }
0x41: {  	_ =	shalt  }
0x42: {  	_ =	shalt  }
0x43: {  	_ =	shalt  }
0x44: {  	_ =	shalt  }
0x45: {  	_ =	shalt  }
0x46: {  	_ =	shalt  }
0x47: {  	_ =	shalt  }
0x48: {  	_ =	shalt  }
0x49: {  	_ =	shalt  }
0x4a: {  	_ =	shalt  }
0x4b: {  	_ =	shalt  }
0x4c: {  	_ =	shalt  }
0x4d: {  	_ =	shalt  }
0x4e: {  	_ =	shalt  }
0x4f: {  	_ =	shalt  }
0x50: {  	_ =	shalt  }
0x51: {  	_ =	shalt  }
0x52: {  	_ =	shalt  }
0x53: {  	_ =	shalt  }
0x54: {  	_ =	shalt  }
0x55: {  	_ =	shalt  }
0x56: {  	_ =	shalt  }
0x57: {  	_ =	shalt  }
0x58: {  	_ =	shalt  }
0x59: {  	_ =	shalt  }
0x5a: {  	_ =	shalt  }
0x5b: {  	_ =	shalt  }
0x5c: {  	_ =	shalt  }
0x5d: {  	_ =	shalt  }
0x5e: {  	_ =	shalt  }
0x5f: {  	_ =	shalt  }
0x60: {  	_ =	shalt  }
0x61: {  	_ =	shalt  }
0x62: {  	_ =	shalt  }
0x63: {  	_ =	shalt  }
0x64: {  	_ =	shalt  }
0x65: {  	_ =	shalt  }
0x66: {  	_ =	shalt  }
0x67: {  	_ =	shalt  }
0x68: {  	_ =	shalt  }
0x69: {  	_ =	shalt  }
0x6a: {  	_ =	shalt  }
0x6b: {  	_ =	shalt  }
0x6c: {  	_ =	shalt  }
0x6d: {  	_ =	shalt  }
0x6e: {  	_ =	shalt  }
0x6f: {  	_ =	shalt  }
0x70: {  	_ =	shalt  }
0x71: {  	_ =	shalt  }
0x72: {  	_ =	shalt  }
0x73: {  	_ =	shalt  }
0x74: {  	_ =	shalt  }
0x75: {  	_ =	shalt  }
0x76: {  	_ =	shalt  }
0x77: {  	_ =	shalt  }
0x78: {  	_ =	shalt  }
0x79: {  	_ =	shalt  }
0x7a: {  	_ =	shalt  }
0x7b: {  	_ =	shalt  }
0x7c: {  	_ =	shalt  }
0x7d: {  	_ =	shalt  }
0x7e: {  	_ =	shalt  }
0x7f: {  	_ =	shalt  }
0x80: {  	_ =	shalt  }
0x81: {  	_ =	shalt  }
0x82: {  	_ =	shalt  }
0x83: {  	_ =	shalt  }
0x84: {  	_ =	shalt  }
0x85: {  	_ =	shalt  }
0x86: {  	_ =	shalt  }
0x87: {  	_ =	shalt  }
.Lfunc_end0:
.L_simem_size_0:
called_computation.1_lowered:
.L_overlay_start_0:
0x88: {  	s2 =	sld [smem:$0x3FD9]  }
0x89: {  	s3 =	sld [smem:$0x3FFE];
	_ =	sdelay $0x1  }
0x8a: {  	s1 =	srdreg.scid  }
0x8b: {  	s0 =	sand.u32 $0x1, s1  }
0x8c: {  	s17 =	sshll.u32 s0, $0xA;
	s2 =	sadd.s32 s3, s2  }
0x8d: {  	s2 =	sadd.s32 s2, s17  }
0x8e: {  	[smem:$0x3FBE] =	sst s2  }
0x8f: {  	_ = 	snop  }
0x90: {  	s2 =	sld [smem:$0x3FD0];
	(tm) =	ssettm $0x1  }
0x91: {  	s18 =	sld [smem:$0x3FFB];
	_ =	sdelay $0x3  }
0x92: {  	_ =	strace s18  }
0x93: {  	s3 =	sld [smem:$0x3FFC];
	_ =	sdelay $0x3  }
0x94: {  	_ =	strace s3  }
0x95: {  	s3 =	sld [smem:$0x3FFD];
	_ =	sdelay $0x3  }
0x96: {  	_ =	strace s3  }
0x97: {  	_ =	strace $0x8FFFFFFF  }
0x98: {  	s19 =	sld [smem:$0x3FDB];
	_ =	sdelay $0x1  }
0x99: {  	s4 =	simm.s32 $_scs_section_size  }
0x9a: {  	s5 =	simm.s32 $_size__tile_overlayer_lowered;
	s6 =	simm.s32 $_tile_overlayer_lowered  }
0x9b: {  	s22 =	simm.s32 $0x1BFF;
	s21 =	sshll.u32 s6, $0x1;
	s3 =	sadd.s32 s4, s19  }
0x9c: {  	s7 =	simm.s32 $0x0;
	s20 =	sshll.u32 s5, $0x1;
	s5 =	sadd.s32 s21, s3  }
0x9d: {  	[timem:s7], [sflag:s22] =	dma.local [hbm:s5], s20  }
0x9e: {  	_ =	swait.ge [sflag:s22], s20  }
0x9f: {  	s4 =	ssub.s32 $0x0, s20;
	[sflag:s22] =	ssyncset.done $0x0  }
0xa0: {  	[sflag:s22] =	ssyncadd.s32 s4;
	_ =	sdelay $0x1  }
0xa1: {  	s23 =	simm.s32 $0x1B8B  }
0xa2: {  	_ =	swait.ge [sflag:s23], $0x1  }
0xa3: {  	[sflag:s23] =	ssyncset.done $0x0  }
0xa4: {  	s25 =	simm.s32 $0x1B8E;
	s24 =	sld [smem:$0x3FFE];
	[sflag:s23] =	ssyncadd.s32 $0xFFFFFFFF  }
0xa5: {  	s26 =	simm.s32 $execute0_lowered;
	[smem:$0x3FD2] =	sst s25  }
0xa6: {  	s5 =	sshll.u32 s26, $0x1;
	_ =	strace $0x80000049;
	[dreg:$0x1] =	wrdreg $0xFFFFFFFF  }
0xa7: {  	s28 =	simm.s32 $_size_execute0_lowered;
	s3 =	sadd.s32 s3, s5;
	[dreg:$0x0] =	wrdreg $0x0  }
0xa8: {  	s5 =	sshll.u32 s28, $0x1;
	[dreg:$0x2] =	wrdreg s3  }
0xa9: {  	[dreg:$0x3] =	wrdreg s5  }
0xaa: {  	[dreg:$0x4] =	wrdreg $0xC0  }
0xab: {  	_ =	task [dreg:s7], $0x5FFFF  }
0xac: {  	[dreg:$0x1] =	wrdreg $0xFFFFFFFF  }
0xad: {  	[dreg:$0x0] =	wrdreg $0x60  }
0xae: {  	[dreg:$0x2] =	wrdreg s24  }
0xaf: {  	[dreg:$0x3] =	wrdreg s2  }
0xb0: {  	[dreg:$0x4] =	wrdreg $0x9  }
0xb1: {  	_ =	task.clear_ibuf [dreg:s7], $0x5FFFF;
	_ =	strace $0x90000049  }
0xb2: {  	s29 =	simm.s32 $0x9;
	_ =	strace $0x8000004B  }
0xb3: {  	_ =	swait.ge [sflag:s29], $0x1  }
0xb4: {  	[sflag:s29] =	ssyncadd.s32 $0xFFFFFFFF  }
0xb5: {  	_ =	strace $0x9000004B  }
0xb6: {  	_ =	sfence  }
0xb7: {  	s30 =	sld [smem:$0x0];
	_ =	sdelay $0x2  }
0xb8: {  	s31 =	sshll.u32 s1, $0xD;
	s1 =	sshrl.u32 s1, $0x2  }
0xb9: {  	s3 =	sand.u32 $0x4000, s31;
	s1 =	sadd.s32 s1, s30  }
0xba: {  	s0 =	sor.u32 s3, s0;
	s1 =	sshll.u32 s1, $0x11  }
0xbb: {  	s0 =	sor.u32 s1, s0  }
0xbc: {  	s0 =	sadd.s32 $0x8F2B, s0  }
0xbd: {  	[sflag:s0] =	ssyncadd.remote.s32 $0x1  }
0xbe: {  	_ =	sfence.sel $0xFFFF  }
0xbf: {  	[dreg:$0x0] =	wrdreg $0xFFFFFFFF;
	(pc) =	sbr.abs _section_cstart, $3  }
0xc0: {  	[dreg:$0x1] =	wrdreg $0xFFFFFFFF  }
0xc1: {  	_ =	task.clear_ibuf [dreg:s7], $0x2FFFF;
	_ =	strace $0x9FFFFFFF  }
0xc2: {  	(tm) =	ssettm $0x7FFFFFFF  }
0xc3: {  	_ =	shalt  }
tec
execute0_lowered:
.L_overlay_start_1:
0x0: {  	(tag) =	ssettag $0x1  }
0x1: {  	s6 =	rddreg [dreg:$0x0];
	s1 =	srdreg.scid  }
0x2: {  	s0 =	stileid.u32;
	s2 =	rddreg [dreg:$0x1];
	s3 =	simm.s32 $0x0  }
0x3: {  	s5 =	sand.u32 $0x1, s1;
	s4 =	sshll.u32 s0, $0x1;
	[smem:$0x7FF] =	sst s3  }
0x4: {  	s1 =	rddreg [dreg:$0x2];
	s7 =	sor.u32 s5, s4;
	_ =	strace $0x8000004A  }
0x5: {  	s9 =	ssub.s32 $0x2, s5;
	s5 =	sadd.s32 $0x1C00, s6;
	s4 =	sshll.u32 s7, $0xC  }
0x6: {  	s11 =	sshll.u32 s7, $0xB;
	s30 =	sshrl.u32 s9, $0x1;
	s12 =	sshll.u32 s7, $0x4  }
.Ltmp0:
0x7: {  	s13 =	sshll.u32 s7, $0xA;
	s8 =	sadd.s32 s4, s6;
	(pc) =	sbr.rel .LBB2_1-.Ltmp0, $4  }
0x8: {  	s4 =	sadd.s32 $0x2400, s6;
	s10 =	sadd.s32 s11, s6;
	s9 =	ssub.s32 s9, s30  }
0x9: {  	s31 =	sadd.s32 $0x10, s12;
	v0 =	vmov s12;
	v2 =	vmov s11;
	s11 =	simm.s32 $0xA020;
	s12 =	simm.s32 $0x800  }
0xa: {  	v3 =	vmov s13;
	s13 =	simm.s32 $0x0;
	s6 =	sadd.s32 $0x2C00, s8;
	s7 =	sadd.s32 $0x22C00, s10  }
0xb: {  	v4 =	vlaneseq.u32;
	v1 =	vmov s31;
	s8 =	smax.u32 s9, $0x1;
	s9 =	simm.s32 $0x2020;
	s10 =	simm.s32 $0x1  }
.LBB2_9:
0xc: {  	s13 =	sadd.s32 $0x1, s13  }
0xd: {  	p0 =	sne.s32 s13, s8  }
.Ltmp1:
0xe: {  	_ = 	snop;
	(pc) =	sbr.rel @!p0 .LBB2_10-.Ltmp1, $4  }
0xf: {  	[hbm4b:s7+s3] =	stream.linear.scatter [tilespmem:s11], [sflag:$0x1], $0x4000, $0x38;
	[tilespmem:$0xE020] =	vst v63  }
0x10: {  	_ =	swait.ge [sflag:s10], $0x4000  }
0x11: {  	[sflag:s10] =	ssyncset.done $0x0  }
0x12: {  	[sflag:s10] =	ssyncadd.s32 $0xFFFFC000  }
.LBB2_1:
0x13: {  	[tilespmem:s9], [sflag:$0x1] =	stream.linear.gather [hbm4b:s6+s3], $0x8000, $0x38;
	[tilespmem:$0xE020] =	vst v63  }
0x14: {  	_ =	swait.ge [sflag:s10], $0x8000  }
0x15: {  	[sflag:s10] =	ssyncset.done $0x0  }
.Ltmp2:
0x16: {  	[sflag:s10] =	ssyncadd.s32 $0xFFFF8000;
	(pc) =	sbr.rel .LBB2_2-.Ltmp2, $4  }
0x17: {  	[tilespmem:s11], [sflag:$0x1] =	stream.linear.gather [hbm4b:s2+s3], $0x4000, $0x38;
	[tilespmem:$0xE020] =	vst v63  }
0x18: {  	_ =	swait.ge [sflag:s10], $0x4000  }
0x19: {  	[sflag:s10] =	ssyncset.done $0x0  }
0x1a: {  	s14 =	simm.s32 $0x0;
	[sflag:s10] =	ssyncadd.s32 $0xFFFFC000  }
.LBB2_7:
0x1b: {  	_ =	sdelay $0x4  }
0x1c: {  	[tilespmem:v7+s11+$0x0] =	vst.idx.add.f32.msk vm0, v6  }
.LBB2_8:
0x1d: {  	s14 =	sadd.s32 $0x1, s14  }
0x1e: {  	p0 =	sne.s32 s14, $0x8  }
.Ltmp3:
0x1f: {  	_ = 	snop;
	(pc) =	sbr.rel @!p0 .LBB2_9-.Ltmp3, $1  }
0x20: {  	_ =	sdelay $0x3  }
.LBB2_2:
0x21: {  	s16 =	sshll.u32 s14, $0x8  }
0x22: {  	s15 =	simm.s32 $0x0;
	s17 =	sadd.s32 s4, s16  }
0x23: {  	[tilespmem:s15], [sflag:$0x1] =	stream.linear.gather [hbm4b:s17+s15], $0x800, $0x38;
	[tilespmem:$0xE020] =	vst v63  }
0x24: {  	_ =	swait.ge [sflag:s10], $0x800  }
0x25: {  	[sflag:s10] =	ssyncset.done $0x0  }
0x26: {  	s16 =	sadd.s32 s5, s16;
	[sflag:s10] =	ssyncadd.s32 $0xFFFFF800  }
0x27: {  	[tilespmem:s12], [sflag:$0x1] =	stream.linear.gather [hbm4b:s16+s15], $0x800, $0x38;
	[tilespmem:$0xE020] =	vst v63  }
0x28: {  	_ =	swait.ge [sflag:s10], $0x800  }
0x29: {  	[sflag:s10] =	ssyncset.done $0x0  }
0x2a: {  	s31 =	simm.s32 $0x0;
	[sflag:s10] =	ssyncadd.s32 $0xFFFFF800  }
0x2b: {  	v5 =	vld [tilespmem:s31+$0x0];
	_ =	sdelay $0x4  }
0x2c: {  	v6 =	vshrl.u32 v5, $0x7  }
0x2d: {  	vm0 =	vge.u32 v6, v0;
	vm1 =	vlt.u32 v6, v1  }
0x2e: {  	vm0 =	vmand vm0, vm1  }
0x2f: {  	v6 =	vmpcnt.ones.xlane vm0;
	_ =	sdelay $0x1  }
0x30: {  	v7 =	vld [tilespmem:s31+$0x800];
	(v2sf) =	vpush v6, $0x0;
	_ =	sdelay $0x3  }
0x31: {  	[tilespmem:s15+$0x1000] =	vst.msk vm0, v5  }
0x32: {  	s17 =	simm.s32 $0x80;
	s16 =	simm.s32 $0x10;
	[tilespmem:s15+$0x1810] =	vst.msk vm0, v7  }
.LBB2_3:
0x33: {  	p0 =	sne.s32 s17, $0x1FC0;
	v5 =	vld [tilespmem:s16+$0x0];
	_ =	sdelay $0x4  }
0x34: {  	v6 =	vshrl.u32 v5, $0x7  }
0x35: {  	vm0 =	vge.u32 v6, v0;
	vm1 =	vlt.u32 v6, v1  }
0x36: {  	v6 =	vld [tilespmem:s16+$0x800];
	vm0 =	vmand vm0, vm1  }
0x37: {  	v7 =	vmpcnt.ones.xlane vm0  }
0x38: {  	s16 =	spop (v2sf)  }
0x39: {  	(v2sf) =	vpush v7, $0x0;
	s15 =	sadd.s32 s15, s16  }
.Ltmp4:
0x3a: {  	[tilespmem:s15+$0x1000] =	vst.msk vm0, v5;
	(pc) =	sbr.rel @p0 .LBB2_3-.Ltmp4, $2  }
0x3b: {  	[tilespmem:s15+$0x1810] =	vst.msk vm0, v6;
	_ =	sdelay $0x2  }
0x3c: {  	s16 =	sshra.s32 s17, $0x2;
	s17 =	sadd.s32 $0x40, s17  }
0x3d: {  	v5 =	vld [tilespmem:s16+$0x0];
	_ =	sdelay $0x4  }
0x3e: {  	v6 =	vshrl.u32 v5, $0x7  }
0x3f: {  	vm0 =	vge.u32 v6, v0;
	vm1 =	vlt.u32 v6, v1  }
0x40: {  	vm0 =	vmand vm0, vm1  }
0x41: {  	v6 =	vmpcnt.ones.xlane vm0;
	_ =	sdelay $0x1  }
0x42: {  	(v2sf) =	vpush v6, $0x0;
	_ =	sdelay $0xd  }
0x43: {  	s17 =	spop (v2sf)  }
0x44: {  	s15 =	sadd.s32 s15, s17;
	s29 =	spop (v2sf)  }
0x45: {  	s19 =	sadd.s32 s15, s29  }
0x46: {  	s17 =	sadd.s32 $0xF, s19  }
0x47: {  	s18 =	sand.u32 $0xF, s17  }
0x48: {  	s30 =	sshra.s32 s17, $0x1F;
	p1 =	slt.s32 s17, $0x1;
	p0 =	sne.s32 s18, $0x0  }
0x49: {  	s31 =	sshrl.u32 s30, $0x1C;
	p0 =	por !p1, !p0  }
0x4a: {  	v6 =	vld [tilespmem:s16+$0x800];
	s16 =	sadd.s32 s31, s17;
	s17 =	simm.s32 $0x1;
	p0 =	por !p0, !p0  }
0x4b: {  	s16 =	sshra.s32 s16, $0x4;
	s17 =	simm.s32 @!p0 $0x0  }
0x4c: {  	s18 =	ssub.s32 s16, s17  }
0x4d: {  	p0 =	slt.s32 s18, $0x1  }
.Ltmp5:
0x4e: {  	_ = 	snop;
	(pc) =	sbr.rel @p0 .LBB2_8-.Ltmp5, $3  }
0x4f: {  	_ =	sdelay $0x1  }
0x50: {  	[tilespmem:s15+$0x1000] =	vst.msk vm0, v5  }
0x51: {  	[tilespmem:s15+$0x1810] =	vst.msk vm0, v6  }
0x52: {  	s15 =	simm.s32 $0x1000  }
0x53: {  	v5 =	vld [tilespmem:s15+$0x0];
	_ =	sdelay $0x3  }
0x54: {  	s16 =	simm.s32 $0x1810  }
0x55: {  	v7 =	vld [tilespmem:s16+$0x0];
	v6 =	vsub.s32 v5, v2  }
0x56: {  	s17 =	simm.s32 $0x0;
	vm0 =	vgt.s32 v6, $0x0  }
0x57: {  	v8 =	vor.u32 s17, v4;
	v5 =	vmov s19;
	v6 =	vnsel vm0, $0x0, v6  }
0x58: {  	vm0 =	vlt.s32 v8, v5;
	v6 =	vmin.u32 v6, $0x7FF  }
0x59: {  	v6 =	vshll.u32 v6, $0x4  }
0x5a: {  	v7 =	vsub.s32 v7, v3  }
0x5b: {  	vm1 =	vgt.s32 v7, $0x0  }
0x5c: {  	v7 =	vnsel vm1, $0x0, v7  }
0x5d: {  	v7 =	vmin.u32 v7, $0x3FF  }
0x5e: {  	v7 =	vshll.u32 v7, $0x4;
	v8 =	vld.idx.msk [tilespmem:v6+s9+$0x0], vm0  }
0x5f: {  	v9 =	vor.u32 $0x1, v6;
	_ =	sdelay $0x3  }
0x60: {  	[tilespmem:v7+s11+$0x0] =	vst.idx.add.f32.msk vm0, v8  }
0x61: {  	v46 =	vor.u32 $0x1, v7;
	v8 =	vld.idx.msk [tilespmem:v9+s9+$0x0], vm0  }
0x62: {  	v10 =	vor.u32 $0x2, v6;
	_ =	sdelay $0x3  }
0x63: {  	[tilespmem:v46+s11+$0x0] =	vst.idx.add.f32.msk vm0, v8  }
0x64: {  	v47 =	vor.u32 $0x2, v7;
	v8 =	vld.idx.msk [tilespmem:v10+s9+$0x0], vm0  }
0x65: {  	v48 =	vor.u32 $0x3, v6;
	_ =	sdelay $0x3  }
0x66: {  	[tilespmem:v47+s11+$0x0] =	vst.idx.add.f32.msk vm0, v8  }
0x67: {  	v49 =	vor.u32 $0x3, v7;
	v8 =	vld.idx.msk [tilespmem:v48+s9+$0x0], vm0  }
0x68: {  	v50 =	vor.u32 $0x4, v6;
	_ =	sdelay $0x3  }
0x69: {  	[tilespmem:v49+s11+$0x0] =	vst.idx.add.f32.msk vm0, v8  }
0x6a: {  	v51 =	vor.u32 $0x4, v7;
	v8 =	vld.idx.msk [tilespmem:v50+s9+$0x0], vm0  }
0x6b: {  	v52 =	vor.u32 $0x5, v6;
	_ =	sdelay $0x3  }
0x6c: {  	[tilespmem:v51+s11+$0x0] =	vst.idx.add.f32.msk vm0, v8  }
0x6d: {  	v53 =	vor.u32 $0x5, v7;
	v8 =	vld.idx.msk [tilespmem:v52+s9+$0x0], vm0  }
0x6e: {  	v54 =	vor.u32 $0x6, v6;
	_ =	sdelay $0x3  }
0x6f: {  	[tilespmem:v53+s11+$0x0] =	vst.idx.add.f32.msk vm0, v8  }
0x70: {  	v55 =	vor.u32 $0x6, v7;
	v8 =	vld.idx.msk [tilespmem:v54+s9+$0x0], vm0  }
0x71: {  	v56 =	vor.u32 $0x7, v6;
	_ =	sdelay $0x3  }
0x72: {  	[tilespmem:v55+s11+$0x0] =	vst.idx.add.f32.msk vm0, v8  }
0x73: {  	v57 =	vor.u32 $0x7, v7;
	v8 =	vld.idx.msk [tilespmem:v56+s9+$0x0], vm0  }
0x74: {  	v58 =	vor.u32 $0x8, v6;
	_ =	sdelay $0x3  }
0x75: {  	[tilespmem:v57+s11+$0x0] =	vst.idx.add.f32.msk vm0, v8  }
0x76: {  	v59 =	vor.u32 $0x8, v7;
	v8 =	vld.idx.msk [tilespmem:v58+s9+$0x0], vm0  }
0x77: {  	v60 =	vor.u32 $0x9, v6;
	_ =	sdelay $0x3  }
0x78: {  	[tilespmem:v59+s11+$0x0] =	vst.idx.add.f32.msk vm0, v8  }
0x79: {  	v61 =	vor.u32 $0x9, v7;
	v8 =	vld.idx.msk [tilespmem:v60+s9+$0x0], vm0  }
0x7a: {  	v62 =	vor.u32 $0xA, v6;
	_ =	sdelay $0x3  }
0x7b: {  	[tilespmem:v61+s11+$0x0] =	vst.idx.add.f32.msk vm0, v8  }
0x7c: {  	v63 =	vor.u32 $0xA, v7;
	v8 =	vld.idx.msk [tilespmem:v62+s9+$0x0], vm0  }
0x7d: {  	v6 =	vor.u32 $0xB, v6;
	_ =	sdelay $0x3  }
0x7e: {  	p0 =	sne.s32 s18, $0x1;
	[tilespmem:v63+s11+$0x0] =	vst.idx.add.f32.msk vm0, v8  }
.Ltmp6:
0x7f: {  	v7 =	vor.u32 $0xB, v7;
	v6 =	vld.idx.msk [tilespmem:v6+s9+$0x0], vm0;
	(pc) =	sbr.rel @!p0 .LBB2_7-.Ltmp6, $2  }
0x80: {  	_ =	sdelay $0x2  }
0x81: {  	s18 =	sadd.s32 $0xFFFFFFFF, s18  }
.LBB2_6:
0x82: {  	[tilespmem:v7+s11+$0x0] =	vst.idx.add.f32.msk vm0, v6;
	s15 =	sadd.s32 $0x10, s15;
	s16 =	sadd.s32 $0x10, s16;
	s17 =	sadd.s32 $0x10, s17  }
0x83: {  	p0 =	sne.s32 s18, $0x1;
	s18 =	sadd.s32 $0xFFFFFFFF, s18;
	v6 =	vld [tilespmem:s15+$0x0];
	_ =	sdelay $0x4  }
0x84: {  	v6 =	vsub.s32 v6, v2  }
0x85: {  	v7 =	vld [tilespmem:s16+$0x0];
	vm0 =	vgt.s32 v6, $0x0  }
0x86: {  	v8 =	vor.u32 s17, v4;
	v6 =	vnsel vm0, $0x0, v6  }
0x87: {  	vm0 =	vlt.s32 v8, v5;
	v6 =	vmin.u32 v6, $0x7FF  }
0x88: {  	v6 =	vshll.u32 v6, $0x4;
	_ =	sdelay $0x1  }
0x89: {  	v7 =	vsub.s32 v7, v3  }
0x8a: {  	vm1 =	vgt.s32 v7, $0x0  }
0x8b: {  	v7 =	vnsel vm1, $0x0, v7  }
0x8c: {  	v7 =	vmin.u32 v7, $0x3FF;
	v8 =	vld.idx.msk [tilespmem:v6+s9+$0x0], vm0  }
0x8d: {  	v7 =	vshll.u32 v7, $0x4  }
0x8e: {  	v9 =	vor.u32 $0x1, v6;
	_ =	sdelay $0x3  }
0x8f: {  	[tilespmem:v7+s11+$0x0] =	vst.idx.add.f32.msk vm0, v8  }
0x90: {  	v8 =	vld.idx.msk [tilespmem:v9+s9+$0x0], vm0  }
0x91: {  	v9 =	vor.u32 $0x1, v7  }
0x92: {  	v10 =	vor.u32 $0x2, v6;
	_ =	sdelay $0x3  }
0x93: {  	[tilespmem:v9+s11+$0x0] =	vst.idx.add.f32.msk vm0, v8  }
0x94: {  	v8 =	vld.idx.msk [tilespmem:v10+s9+$0x0], vm0  }
0x95: {  	v9 =	vor.u32 $0x2, v7  }
0x96: {  	v10 =	vor.u32 $0x3, v6;
	_ =	sdelay $0x3  }
0x97: {  	[tilespmem:v9+s11+$0x0] =	vst.idx.add.f32.msk vm0, v8  }
0x98: {  	v8 =	vld.idx.msk [tilespmem:v10+s9+$0x0], vm0  }
0x99: {  	v9 =	vor.u32 $0x3, v7  }
0x9a: {  	v10 =	vor.u32 $0x4, v6;
	_ =	sdelay $0x3  }
0x9b: {  	[tilespmem:v9+s11+$0x0] =	vst.idx.add.f32.msk vm0, v8  }
0x9c: {  	v8 =	vld.idx.msk [tilespmem:v10+s9+$0x0], vm0  }
0x9d: {  	v9 =	vor.u32 $0x4, v7  }
0x9e: {  	v10 =	vor.u32 $0x5, v6;
	_ =	sdelay $0x3  }
0x9f: {  	[tilespmem:v9+s11+$0x0] =	vst.idx.add.f32.msk vm0, v8  }
0xa0: {  	v8 =	vld.idx.msk [tilespmem:v10+s9+$0x0], vm0  }
0xa1: {  	v9 =	vor.u32 $0x5, v7  }
0xa2: {  	v10 =	vor.u32 $0x6, v6;
	_ =	sdelay $0x3  }
0xa3: {  	[tilespmem:v9+s11+$0x0] =	vst.idx.add.f32.msk vm0, v8  }
0xa4: {  	v8 =	vld.idx.msk [tilespmem:v10+s9+$0x0], vm0  }
0xa5: {  	v9 =	vor.u32 $0x6, v7  }
0xa6: {  	v10 =	vor.u32 $0x7, v6;
	_ =	sdelay $0x3  }
0xa7: {  	[tilespmem:v9+s11+$0x0] =	vst.idx.add.f32.msk vm0, v8  }
0xa8: {  	v8 =	vld.idx.msk [tilespmem:v10+s9+$0x0], vm0  }
0xa9: {  	v9 =	vor.u32 $0x7, v7  }
0xaa: {  	v10 =	vor.u32 $0x8, v6;
	_ =	sdelay $0x3  }
0xab: {  	[tilespmem:v9+s11+$0x0] =	vst.idx.add.f32.msk vm0, v8  }
0xac: {  	v8 =	vld.idx.msk [tilespmem:v10+s9+$0x0], vm0  }
0xad: {  	v9 =	vor.u32 $0x8, v7  }
0xae: {  	v10 =	vor.u32 $0x9, v6;
	_ =	sdelay $0x3  }
0xaf: {  	[tilespmem:v9+s11+$0x0] =	vst.idx.add.f32.msk vm0, v8  }
0xb0: {  	v8 =	vld.idx.msk [tilespmem:v10+s9+$0x0], vm0  }
0xb1: {  	v9 =	vor.u32 $0x9, v7  }
0xb2: {  	v10 =	vor.u32 $0xA, v6;
	_ =	sdelay $0x3  }
0xb3: {  	[tilespmem:v9+s11+$0x0] =	vst.idx.add.f32.msk vm0, v8  }
0xb4: {  	v8 =	vld.idx.msk [tilespmem:v10+s9+$0x0], vm0  }
0xb5: {  	v9 =	vor.u32 $0xA, v7  }
0xb6: {  	v6 =	vor.u32 $0xB, v6;
	_ =	sdelay $0x1  }
.Ltmp7:
0xb7: {  	(pc) =	sbr.rel @p0 .LBB2_6-.Ltmp7, $4  }
0xb8: {  	_ = 	snop  }
0xb9: {  	[tilespmem:v9+s11+$0x0] =	vst.idx.add.f32.msk vm0, v8  }
0xba: {  	v6 =	vld.idx.msk [tilespmem:v6+s9+$0x0], vm0  }
0xbb: {  	v7 =	vor.u32 $0xB, v7  }
.Ltmp8:
0xbc: {  	_ = 	snop;
	(pc) =	sbr.rel .LBB2_7-.Ltmp8, $1  }
0xbd: {  	_ =	sdelay $0x3  }
.LBB2_10:
0xbe: {  	_ =	sfence.sel $0x180000  }
0xbf: {  	[bflag:$0x0] =	sbarrier.arrive $0xFFFF  }
0xc0: {  	p0 =	sne.s32 s0, $0x0;
	_ =	strace $0x9000004A  }
0xc1: {  	s0 =	sadd.s32 @!p0 $0x100000, s1;
	[bflag:$0x2] =	sbarrier.arrive $0xFFFF  }
0xc2: {  	[sflag:s0] =	ssyncadd.tile.s32 @!p0 $0x1;
	_ =	shalt  }
.Lfunc_end2:
_tile_overlayer_lowered:
.L_overlay_start_2:
0xc3: {  	(tag) =	ssettag $0x2  }
0xc4: {  	s0 =	rddreg [dreg:$0x0];
	s2 =	stileid.u32  }
0xc5: {  	s1 =	rddreg [dreg:$0x1];
	p0 =	sne.s32 s2, $0x0  }
0xc6: {  	s3 =	rddreg [dreg:$0x2];
	[bflag:$0x3] =	sbarrier.arrive $0xFFFF;
	s2 =	simm.s32 @!p0 $0x1C01  }
0xc7: {  	[timem:s3], [sflag:s2] =	dma.local @!p0 [hbm:s0], s1  }
0xc8: {  	s0 =	simm.s32 @!p0 $0x1  }
0xc9: {  	_ =	swait.ge @!p0 [sflag:s0], s1  }
0xca: {  	s1 =	ssub.s32 @!p0 $0x0, s1;
	[sflag:s0] =	ssyncset.done @!p0 $0x0  }
0xcb: {  	[sflag:s0] =	ssyncadd.s32 @!p0 s1  }
0xcc: {  	[bflag:$0x3] =	sbarrier.arrive $0xFFFF  }
0xcd: {  	_ =	shalt  }

// kernel: kernel.7.cloned.1.call-start
scs
__scs_entry_jumppad:
0x0: {  	(pc) =	sbr.rel $0x88, $3  }
0x1: {  	(tag) =	ssettag $0x0;
	lr =	simm.s32 $0x1  }
0x2: {  	[smem:$0x3F97] =	sst lr;
	_ =	strace $0xD0000000  }
0x3: {  	_ = 	snop  }
0x4: {  	_ = 	snop  }
0x5: {  	_ = 	snop  }
0x6: {  	_ = 	snop  }
0x7: {  	_ = 	snop  }
__scs_overlays_trampoline_lowered:
0x8: {  	[smem:$0x3FA6] =	sst s0  }
0x9: {  	[smem:$0x3FA7] =	sst s1  }
0xa: {  	[smem:$0x3FA8] =	sst s2  }
0xb: {  	[smem:$0x3FA9] =	sst s3  }
0xc: {  	[smem:$0x3FAA] =	sst s4  }
0xd: {  	[smem:$0x3FAB] =	sst s5  }
0xe: {  	[smem:$0x3FAC] =	sst s6  }
0xf: {  	[smem:$0x3FAD] =	sst s7  }
0x10: {  	[smem:$0x3FAE] =	sst s8  }
0x11: {  	[smem:$0x3FAF] =	sst s9;
	s0 =	simm.s32 @!p0 $0x0  }
0x12: {  	s1 =	sld [smem:$0x3F95];
	s0 =	simm.s32 @p0 $0x1  }
0x13: {  	[smem:$0x3FB0] =	sst s0;
	s0 =	simm.s32 @!p1 $0x0  }
0x14: {  	s2 =	sld [smem:$0x3F94];
	s0 =	simm.s32 @p1 $0x1  }
0x15: {  	[smem:$0x3FB1] =	sst s0;
	s0 =	simm.s32 @!p2 $0x0  }
0x16: {  	s3 =	sld [smem:$0x3FDB];
	s0 =	simm.s32 @p2 $0x1  }
0x17: {  	s4 =	simm.s32 $0x1BF5;
	[smem:$0x3FB3] =	sst s0  }
0x18: {  	s0 =	sld [smem:$0x3F96];
	_ =	swait.ge [sflag:s4], $0x0  }
0x19: {  	s7 =	sld [smem:$0x3F97]  }
0x1a: {  	s8 =	sadd.s32 $0xFFFFE003, lr  }
0x1b: {  	s9 =	sadd.s32 $0xFFFFFEF7, lr;
	s5 =	simm.s32 $0xFFFFFFFF;
	p2 =	slt.u32 s8, $0xFFFFF086  }
0x1c: {  	p1 =	slt.u32 s9, $0xF7A;
	s5 =	simm.s32 @!p2 $0x0  }
0x1d: {  	s5 =	simm.s32 @p1 $0x1;
	p0 =	seq.s32 s7, s2  }
0x1e: {  	s7 =	smul.u32 @!p0 $0xF7A, s2;
	p2 =	seq.s32 @!p0 s5, $0x0  }
0x1f: {  	s9 =	smul.u32 $0xF7A, s1;
	s8 =	simm.s32 @!p0 $0x1BF5;
	p2 =	por !p2, p0  }
0x20: {  	[sflag:s8] =	ssyncset.s32 @!p0 $0xFFFFF086;
	s6 =	sadd.s32 @!p0 s3, s7;
	s7 =	simm.s32 @!p0 $0x108  }
0x21: {  	s3 =	sadd.s32 s3, s9;
	s6 =	sadd.s32 @!p0 $0x88, s6;
	s7 =	simm.s32 @p2 $0x1082  }
0x22: {  	[simem:s7], [sflag:s8] =	dma.local @!p0 [hbm:s6], $0xF7A  }
0x23: {  	s9 =	sor.u32 $0xD0000000, s2;
	s6 =	simm.s32 $0x108;
	_ =	swait.ge @!p0 [sflag:s8], $0x0  }
0x24: {  	s3 =	sadd.s32 $0x88, s3;
	s6 =	simm.s32 @!p1 $0x1082;
	[sflag:s4] =	ssyncset.s32 $0xFFFFF086  }
0x25: {  	[simem:s6], [sflag:s4] =	dma.local [hbm:s3], $0xF7A  }
0x26: {  	[smem:$0x3F97] =	sst s1;
	(tag) =	ssettag s2;
	_ =	strace s9  }
0x27: {  	s1 =	sld [smem:$0x3FA7]  }
0x28: {  	s2 =	sld [smem:$0x3FA8]  }
0x29: {  	s4 =	sld [smem:$0x3FAA]  }
0x2a: {  	p0 =	seq.s32 s5, $0x0;
	s5 =	sld [smem:$0x3FAB]  }
0x2b: {  	s6 =	sld [smem:$0x3FAC]  }
0x2c: {  	s7 =	sld [smem:$0x3FAD]  }
0x2d: {  	s3 =	simm.s32 $0x108;
	s8 =	sld [smem:$0x3FAE]  }
0x2e: {  	s3 =	simm.s32 @!p0 $0x1082;
	s9 =	sld [smem:$0x3FAF]  }
0x2f: {  	lr =	sadd.s32 s0, s3;
	s0 =	sld [smem:$0x3FA6]  }
0x30: {  	s3 =	sld [smem:$0x3FA9]  }
0x31: {  	[smem:$0x3FB2] =	sst s10  }
0x32: {  	s10 =	sld [smem:$0x3FB0];
	_ =	sdelay $0x3  }
0x33: {  	p0 =	seq.s32 s10, $0x1;
	s10 =	sld [smem:$0x3FB2];
	_ =	sdelay $0x3  }
0x34: {  	[smem:$0x3FB2] =	sst s10  }
0x35: {  	s10 =	sld [smem:$0x3FB1];
	_ =	sdelay $0x3  }
0x36: {  	p1 =	seq.s32 s10, $0x1;
	s10 =	sld [smem:$0x3FB2];
	_ =	sdelay $0x3  }
0x37: {  	[smem:$0x3FB2] =	sst s10  }
0x38: {  	s10 =	sld [smem:$0x3FB3]  }
0x39: {  	_ = 	snop;
	(pc) =	sbr.ind lr, $3  }
0x3a: {  	_ = 	snop  }
0x3b: {  	_ = 	snop  }
0x3c: {  	p2 =	seq.s32 s10, $0x1;
	s10 =	sld [smem:$0x3FB2]  }
0x3d: {  	_ =	shalt  }
0x3e: {  	_ =	shalt  }
0x3f: {  	_ =	shalt  }
0x40: {  	_ =	shalt  }
0x41: {  	_ =	shalt  }
0x42: {  	_ =	shalt  }
0x43: {  	_ =	shalt  }
0x44: {  	_ =	shalt  }
0x45: {  	_ =	shalt  }
0x46: {  	_ =	shalt  }
0x47: {  	_ =	shalt  }
0x48: {  	_ =	shalt  }
0x49: {  	_ =	shalt  }
0x4a: {  	_ =	shalt  }
0x4b: {  	_ =	shalt  }
0x4c: {  	_ =	shalt  }
0x4d: {  	_ =	shalt  }
0x4e: {  	_ =	shalt  }
0x4f: {  	_ =	shalt  }
0x50: {  	_ =	shalt  }
0x51: {  	_ =	shalt  }
0x52: {  	_ =	shalt  }
0x53: {  	_ =	shalt  }
0x54: {  	_ =	shalt  }
0x55: {  	_ =	shalt  }
0x56: {  	_ =	shalt  }
0x57: {  	_ =	shalt  }
0x58: {  	_ =	shalt  }
0x59: {  	_ =	shalt  }
0x5a: {  	_ =	shalt  }
0x5b: {  	_ =	shalt  }
0x5c: {  	_ =	shalt  }
0x5d: {  	_ =	shalt  }
0x5e: {  	_ =	shalt  }
0x5f: {  	_ =	shalt  }
0x60: {  	_ =	shalt  }
0x61: {  	_ =	shalt  }
0x62: {  	_ =	shalt  }
0x63: {  	_ =	shalt  }
0x64: {  	_ =	shalt  }
0x65: {  	_ =	shalt  }
0x66: {  	_ =	shalt  }
0x67: {  	_ =	shalt  }
0x68: {  	_ =	shalt  }
0x69: {  	_ =	shalt  }
0x6a: {  	_ =	shalt  }
0x6b: {  	_ =	shalt  }
0x6c: {  	_ =	shalt  }
0x6d: {  	_ =	shalt  }
0x6e: {  	_ =	shalt  }
0x6f: {  	_ =	shalt  }
0x70: {  	_ =	shalt  }
0x71: {  	_ =	shalt  }
0x72: {  	_ =	shalt  }
0x73: {  	_ =	shalt  }
0x74: {  	_ =	shalt  }
0x75: {  	_ =	shalt  }
0x76: {  	_ =	shalt  }
0x77: {  	_ =	shalt  }
0x78: {  	_ =	shalt  }
0x79: {  	_ =	shalt  }
0x7a: {  	_ =	shalt  }
0x7b: {  	_ =	shalt  }
0x7c: {  	_ =	shalt  }
0x7d: {  	_ =	shalt  }
0x7e: {  	_ =	shalt  }
0x7f: {  	_ =	shalt  }
0x80: {  	_ =	shalt  }
0x81: {  	_ =	shalt  }
0x82: {  	_ =	shalt  }
0x83: {  	_ =	shalt  }
0x84: {  	_ =	shalt  }
0x85: {  	_ =	shalt  }
0x86: {  	_ =	shalt  }
0x87: {  	_ =	shalt  }
.Lfunc_end0:
.L_simem_size_0:
called_computation_lowered:
.L_overlay_start_0:
0x88: {  	s2 =	sld [smem:$0x3FD9]  }
0x89: {  	s3 =	sld [smem:$0x3FFE];
	_ =	sdelay $0x1  }
0x8a: {  	s1 =	srdreg.scid  }
0x8b: {  	s0 =	sand.u32 $0x1, s1  }
0x8c: {  	s17 =	sshll.u32 s0, $0xA;
	s2 =	sadd.s32 s3, s2  }
0x8d: {  	s2 =	sadd.s32 s2, s17  }
0x8e: {  	[smem:$0x3FBE] =	sst s2  }
0x8f: {  	_ = 	snop  }
0x90: {  	s2 =	sld [smem:$0x3FD0];
	(tm) =	ssettm $0x1  }
0x91: {  	s18 =	sld [smem:$0x3FFB];
	_ =	sdelay $0x3  }
0x92: {  	_ =	strace s18  }
0x93: {  	s3 =	sld [smem:$0x3FFC];
	_ =	sdelay $0x3  }
0x94: {  	_ =	strace s3  }
0x95: {  	s3 =	sld [smem:$0x3FFD];
	_ =	sdelay $0x3  }
0x96: {  	_ =	strace s3  }
0x97: {  	_ =	strace $0x8FFFFFFF  }
0x98: {  	s19 =	sld [smem:$0x3FDB];
	_ =	sdelay $0x1  }
0x99: {  	s4 =	simm.s32 $_scs_section_size  }
0x9a: {  	s5 =	simm.s32 $_size__tile_overlayer_lowered;
	s6 =	simm.s32 $_tile_overlayer_lowered  }
0x9b: {  	s22 =	simm.s32 $0x1BFF;
	s21 =	sshll.u32 s6, $0x1;
	s3 =	sadd.s32 s4, s19  }
0x9c: {  	s7 =	simm.s32 $0x0;
	s20 =	sshll.u32 s5, $0x1;
	s5 =	sadd.s32 s21, s3  }
0x9d: {  	[timem:s7], [sflag:s22] =	dma.local [hbm:s5], s20  }
0x9e: {  	_ =	swait.ge [sflag:s22], s20  }
0x9f: {  	s4 =	ssub.s32 $0x0, s20;
	[sflag:s22] =	ssyncset.done $0x0  }
0xa0: {  	[sflag:s22] =	ssyncadd.s32 s4;
	_ =	sdelay $0x1  }
0xa1: {  	s23 =	simm.s32 $0x1B8B  }
0xa2: {  	_ =	swait.ge [sflag:s23], $0x1  }
0xa3: {  	[sflag:s23] =	ssyncset.done $0x0  }
0xa4: {  	s25 =	simm.s32 $0x1B8E;
	s24 =	sld [smem:$0x3FFE];
	[sflag:s23] =	ssyncadd.s32 $0xFFFFFFFF  }
0xa5: {  	s26 =	simm.s32 $execute0_lowered;
	[smem:$0x3FD2] =	sst s25  }
0xa6: {  	s5 =	sshll.u32 s26, $0x1;
	_ =	strace $0x80000046;
	[dreg:$0x1] =	wrdreg $0xFFFFFFFF  }
0xa7: {  	s28 =	simm.s32 $_size_execute0_lowered;
	s3 =	sadd.s32 s3, s5;
	[dreg:$0x0] =	wrdreg $0x0  }
0xa8: {  	s5 =	sshll.u32 s28, $0x1;
	[dreg:$0x2] =	wrdreg s3  }
0xa9: {  	[dreg:$0x3] =	wrdreg s5  }
0xaa: {  	[dreg:$0x4] =	wrdreg $0xC0  }
0xab: {  	_ =	task [dreg:s7], $0x5FFFF  }
0xac: {  	[dreg:$0x1] =	wrdreg $0xFFFFFFFF  }
0xad: {  	[dreg:$0x0] =	wrdreg $0x60  }
0xae: {  	[dreg:$0x2] =	wrdreg s24  }
0xaf: {  	[dreg:$0x3] =	wrdreg s2  }
0xb0: {  	[dreg:$0x4] =	wrdreg $0x9  }
0xb1: {  	_ =	task.clear_ibuf [dreg:s7], $0x5FFFF;
	_ =	strace $0x90000046  }
0xb2: {  	s29 =	simm.s32 $0x9;
	_ =	strace $0x80000048  }
0xb3: {  	_ =	swait.ge [sflag:s29], $0x1  }
0xb4: {  	[sflag:s29] =	ssyncadd.s32 $0xFFFFFFFF  }
0xb5: {  	_ =	strace $0x90000048  }
0xb6: {  	_ =	sfence  }
0xb7: {  	s30 =	sld [smem:$0x0];
	_ =	sdelay $0x2  }
0xb8: {  	s31 =	sshll.u32 s1, $0xD;
	s1 =	sshrl.u32 s1, $0x2  }
0xb9: {  	s3 =	sand.u32 $0x4000, s31;
	s1 =	sadd.s32 s1, s30  }
0xba: {  	s0 =	sor.u32 s3, s0;
	s1 =	sshll.u32 s1, $0x11  }
0xbb: {  	s0 =	sor.u32 s1, s0  }
0xbc: {  	s0 =	sadd.s32 $0x8F2B, s0  }
0xbd: {  	[sflag:s0] =	ssyncadd.remote.s32 $0x1  }
0xbe: {  	_ =	sfence.sel $0xFFFF  }
0xbf: {  	[dreg:$0x0] =	wrdreg $0xFFFFFFFF;
	(pc) =	sbr.abs _section_cstart, $3  }
0xc0: {  	[dreg:$0x1] =	wrdreg $0xFFFFFFFF  }
0xc1: {  	_ =	task.clear_ibuf [dreg:s7], $0x2FFFF;
	_ =	strace $0x9FFFFFFF  }
0xc2: {  	(tm) =	ssettm $0x7FFFFFFF  }
0xc3: {  	_ =	shalt  }
tec
execute0_lowered:
.L_overlay_start_1:
0x0: {  	(tag) =	ssettag $0x1  }
0x1: {  	s6 =	rddreg [dreg:$0x0];
	s1 =	srdreg.scid  }
0x2: {  	s0 =	stileid.u32;
	s2 =	rddreg [dreg:$0x1];
	s3 =	simm.s32 $0x0  }
0x3: {  	s5 =	sand.u32 $0x1, s1;
	s4 =	sshll.u32 s0, $0x1;
	[smem:$0x7FF] =	sst s3  }
0x4: {  	s1 =	rddreg [dreg:$0x2];
	s7 =	sor.u32 s5, s4;
	_ =	strace $0x80000047  }
0x5: {  	s4 =	sadd.s32 $0x1C00, s6;
	s10 =	ssub.s32 $0x2, s5;
	s5 =	sadd.s32 $0x2400, s6  }
0x6: {  	s11 =	sshll.u32 s7, $0xB;
	s9 =	sshll.u32 s7, $0xC;
	s30 =	sshrl.u32 s10, $0x1  }
.Ltmp0:
0x7: {  	s12 =	sshll.u32 s7, $0x4;
	s13 =	sshll.u32 s7, $0xA;
	(pc) =	sbr.rel .LBB2_1-.Ltmp0, $4  }
0x8: {  	s8 =	sadd.s32 s11, s6;
	s9 =	sadd.s32 s9, s6;
	s10 =	ssub.s32 s10, s30  }
0x9: {  	s31 =	sadd.s32 $0x10, s12;
	v0 =	vmov s12;
	v3 =	vmov s11;
	s11 =	simm.s32 $0x6020;
	s12 =	simm.s32 $0x800  }
0xa: {  	v2 =	vmov s13;
	s13 =	simm.s32 $0x0;
	s6 =	sadd.s32 $0x2C00, s8;
	s7 =	sadd.s32 $0x12C00, s9  }
0xb: {  	v4 =	vlaneseq.u32;
	v1 =	vmov s31;
	s8 =	smax.u32 s10, $0x1;
	s9 =	simm.s32 $0x2020;
	s10 =	simm.s32 $0x1  }
.LBB2_9:
0xc: {  	s13 =	sadd.s32 $0x1, s13  }
0xd: {  	p0 =	sne.s32 s13, s8  }
.Ltmp1:
0xe: {  	_ = 	snop;
	(pc) =	sbr.rel @!p0 .LBB2_10-.Ltmp1, $4  }
0xf: {  	[hbm4b:s7+s3] =	stream.linear.scatter [tilespmem:s11], [sflag:$0x1], $0x8000, $0x38;
	[tilespmem:$0xE020] =	vst v63  }
0x10: {  	_ =	swait.ge [sflag:s10], $0x8000  }
0x11: {  	[sflag:s10] =	ssyncset.done $0x0  }
0x12: {  	[sflag:s10] =	ssyncadd.s32 $0xFFFF8000  }
.LBB2_1:
0x13: {  	[tilespmem:s9], [sflag:$0x1] =	stream.linear.gather [hbm4b:s6+s3], $0x4000, $0x38;
	[tilespmem:$0xE020] =	vst v63  }
0x14: {  	_ =	swait.ge [sflag:s10], $0x4000  }
0x15: {  	[sflag:s10] =	ssyncset.done $0x0  }
.Ltmp2:
0x16: {  	[sflag:s10] =	ssyncadd.s32 $0xFFFFC000;
	(pc) =	sbr.rel .LBB2_2-.Ltmp2, $4  }
0x17: {  	[tilespmem:s11], [sflag:$0x1] =	stream.linear.gather [hbm4b:s2+s3], $0x8000, $0x38;
	[tilespmem:$0xE020] =	vst v63  }
0x18: {  	_ =	swait.ge [sflag:s10], $0x8000  }
0x19: {  	[sflag:s10] =	ssyncset.done $0x0  }
0x1a: {  	s14 =	simm.s32 $0x0;
	[sflag:s10] =	ssyncadd.s32 $0xFFFF8000  }
.LBB2_7:
0x1b: {  	_ =	sdelay $0x4  }
0x1c: {  	[tilespmem:v7+s11+$0x0] =	vst.idx.add.f32.msk vm0, v6  }
.LBB2_8:
0x1d: {  	s14 =	sadd.s32 $0x1, s14  }
0x1e: {  	p0 =	sne.s32 s14, $0x8  }
.Ltmp3:
0x1f: {  	_ = 	snop;
	(pc) =	sbr.rel @!p0 .LBB2_9-.Ltmp3, $1  }
0x20: {  	_ =	sdelay $0x3  }
.LBB2_2:
0x21: {  	s16 =	sshll.u32 s14, $0x8  }
0x22: {  	s15 =	simm.s32 $0x0;
	s17 =	sadd.s32 s4, s16  }
0x23: {  	[tilespmem:s15], [sflag:$0x1] =	stream.linear.gather [hbm4b:s17+s15], $0x800, $0x38;
	[tilespmem:$0xE020] =	vst v63  }
0x24: {  	_ =	swait.ge [sflag:s10], $0x800  }
0x25: {  	[sflag:s10] =	ssyncset.done $0x0  }
0x26: {  	s16 =	sadd.s32 s5, s16;
	[sflag:s10] =	ssyncadd.s32 $0xFFFFF800  }
0x27: {  	[tilespmem:s12], [sflag:$0x1] =	stream.linear.gather [hbm4b:s16+s15], $0x800, $0x38;
	[tilespmem:$0xE020] =	vst v63  }
0x28: {  	_ =	swait.ge [sflag:s10], $0x800  }
0x29: {  	[sflag:s10] =	ssyncset.done $0x0  }
0x2a: {  	s31 =	simm.s32 $0x0;
	[sflag:s10] =	ssyncadd.s32 $0xFFFFF800  }
0x2b: {  	v5 =	vld [tilespmem:s31+$0x0];
	_ =	sdelay $0x4  }
0x2c: {  	v6 =	vshrl.u32 v5, $0x6  }
0x2d: {  	vm0 =	vge.u32 v6, v0;
	vm1 =	vlt.u32 v6, v1  }
0x2e: {  	vm0 =	vmand vm0, vm1  }
0x2f: {  	v6 =	vmpcnt.ones.xlane vm0;
	_ =	sdelay $0x1  }
0x30: {  	v7 =	vld [tilespmem:s31+$0x800];
	(v2sf) =	vpush v6, $0x0;
	_ =	sdelay $0x3  }
0x31: {  	[tilespmem:s15+$0x1000] =	vst.msk vm0, v5  }
0x32: {  	s17 =	simm.s32 $0x80;
	s16 =	simm.s32 $0x10;
	[tilespmem:s15+$0x1810] =	vst.msk vm0, v7  }
.LBB2_3:
0x33: {  	p0 =	sne.s32 s17, $0x1FC0;
	v5 =	vld [tilespmem:s16+$0x0];
	_ =	sdelay $0x4  }
0x34: {  	v6 =	vshrl.u32 v5, $0x6  }
0x35: {  	vm0 =	vge.u32 v6, v0;
	vm1 =	vlt.u32 v6, v1  }
0x36: {  	v6 =	vld [tilespmem:s16+$0x800];
	vm0 =	vmand vm0, vm1  }
0x37: {  	v7 =	vmpcnt.ones.xlane vm0  }
0x38: {  	s16 =	spop (v2sf)  }
0x39: {  	(v2sf) =	vpush v7, $0x0;
	s15 =	sadd.s32 s15, s16  }
.Ltmp4:
0x3a: {  	[tilespmem:s15+$0x1000] =	vst.msk vm0, v5;
	(pc) =	sbr.rel @p0 .LBB2_3-.Ltmp4, $2  }
0x3b: {  	[tilespmem:s15+$0x1810] =	vst.msk vm0, v6;
	_ =	sdelay $0x2  }
0x3c: {  	s16 =	sshra.s32 s17, $0x2;
	s17 =	sadd.s32 $0x40, s17  }
0x3d: {  	v5 =	vld [tilespmem:s16+$0x0];
	_ =	sdelay $0x4  }
0x3e: {  	v6 =	vshrl.u32 v5, $0x6  }
0x3f: {  	vm0 =	vge.u32 v6, v0;
	vm1 =	vlt.u32 v6, v1  }
0x40: {  	vm0 =	vmand vm0, vm1  }
0x41: {  	v6 =	vmpcnt.ones.xlane vm0;
	_ =	sdelay $0x1  }
0x42: {  	(v2sf) =	vpush v6, $0x0;
	_ =	sdelay $0xd  }
0x43: {  	s17 =	spop (v2sf)  }
0x44: {  	s15 =	sadd.s32 s15, s17;
	s29 =	spop (v2sf)  }
0x45: {  	s19 =	sadd.s32 s15, s29  }
0x46: {  	s17 =	sadd.s32 $0xF, s19  }
0x47: {  	s18 =	sand.u32 $0xF, s17  }
0x48: {  	s30 =	sshra.s32 s17, $0x1F;
	p1 =	slt.s32 s17, $0x1;
	p0 =	sne.s32 s18, $0x0  }
0x49: {  	s31 =	sshrl.u32 s30, $0x1C;
	p0 =	por !p1, !p0  }
0x4a: {  	v6 =	vld [tilespmem:s16+$0x800];
	s16 =	sadd.s32 s31, s17;
	s17 =	simm.s32 $0x1;
	p0 =	por !p0, !p0  }
0x4b: {  	s16 =	sshra.s32 s16, $0x4;
	s17 =	simm.s32 @!p0 $0x0  }
0x4c: {  	s18 =	ssub.s32 s16, s17  }
0x4d: {  	p0 =	slt.s32 s18, $0x1  }
.Ltmp5:
0x4e: {  	_ = 	snop;
	(pc) =	sbr.rel @p0 .LBB2_8-.Ltmp5, $3  }
0x4f: {  	_ =	sdelay $0x1  }
0x50: {  	[tilespmem:s15+$0x1000] =	vst.msk vm0, v5  }
0x51: {  	[tilespmem:s15+$0x1810] =	vst.msk vm0, v6  }
0x52: {  	s15 =	simm.s32 $0x1000  }
0x53: {  	v5 =	vld [tilespmem:s15+$0x0];
	_ =	sdelay $0x3  }
0x54: {  	s16 =	simm.s32 $0x1810  }
0x55: {  	v7 =	vld [tilespmem:s16+$0x0];
	v6 =	vsub.s32 v5, v2  }
0x56: {  	s17 =	simm.s32 $0x0;
	vm0 =	vgt.s32 v6, $0x0  }
0x57: {  	v8 =	vor.u32 s17, v4;
	v5 =	vmov s19;
	v6 =	vnsel vm0, $0x0, v6  }
0x58: {  	vm0 =	vlt.s32 v8, v5;
	v6 =	vmin.u32 v6, $0x3FF  }
0x59: {  	v6 =	vshll.u32 v6, $0x4  }
0x5a: {  	v7 =	vsub.s32 v7, v3  }
0x5b: {  	vm1 =	vgt.s32 v7, $0x0  }
0x5c: {  	v7 =	vnsel vm1, $0x0, v7  }
0x5d: {  	v7 =	vmin.u32 v7, $0x7FF  }
0x5e: {  	v7 =	vshll.u32 v7, $0x4;
	v8 =	vld.idx.msk [tilespmem:v6+s9+$0x0], vm0  }
0x5f: {  	v9 =	vor.u32 $0x1, v6;
	_ =	sdelay $0x3  }
0x60: {  	[tilespmem:v7+s11+$0x0] =	vst.idx.add.f32.msk vm0, v8  }
0x61: {  	v44 =	vor.u32 $0x1, v7;
	v8 =	vld.idx.msk [tilespmem:v9+s9+$0x0], vm0  }
0x62: {  	v10 =	vor.u32 $0x2, v6;
	_ =	sdelay $0x3  }
0x63: {  	[tilespmem:v44+s11+$0x0] =	vst.idx.add.f32.msk vm0, v8  }
0x64: {  	v45 =	vor.u32 $0x2, v7;
	v8 =	vld.idx.msk [tilespmem:v10+s9+$0x0], vm0  }
0x65: {  	v46 =	vor.u32 $0x3, v6;
	_ =	sdelay $0x3  }
0x66: {  	[tilespmem:v45+s11+$0x0] =	vst.idx.add.f32.msk vm0, v8  }
0x67: {  	v47 =	vor.u32 $0x3, v7;
	v8 =	vld.idx.msk [tilespmem:v46+s9+$0x0], vm0  }
0x68: {  	v48 =	vor.u32 $0x4, v6;
	_ =	sdelay $0x3  }
0x69: {  	[tilespmem:v47+s11+$0x0] =	vst.idx.add.f32.msk vm0, v8  }
0x6a: {  	v49 =	vor.u32 $0x4, v7;
	v8 =	vld.idx.msk [tilespmem:v48+s9+$0x0], vm0  }
0x6b: {  	v50 =	vor.u32 $0x5, v6;
	_ =	sdelay $0x3  }
0x6c: {  	[tilespmem:v49+s11+$0x0] =	vst.idx.add.f32.msk vm0, v8  }
0x6d: {  	v51 =	vor.u32 $0x5, v7;
	v8 =	vld.idx.msk [tilespmem:v50+s9+$0x0], vm0  }
0x6e: {  	v52 =	vor.u32 $0x6, v6;
	_ =	sdelay $0x3  }
0x6f: {  	[tilespmem:v51+s11+$0x0] =	vst.idx.add.f32.msk vm0, v8  }
0x70: {  	v53 =	vor.u32 $0x6, v7;
	v8 =	vld.idx.msk [tilespmem:v52+s9+$0x0], vm0  }
0x71: {  	v54 =	vor.u32 $0x7, v6;
	_ =	sdelay $0x3  }
0x72: {  	[tilespmem:v53+s11+$0x0] =	vst.idx.add.f32.msk vm0, v8  }
0x73: {  	v55 =	vor.u32 $0x7, v7;
	v8 =	vld.idx.msk [tilespmem:v54+s9+$0x0], vm0  }
0x74: {  	v56 =	vor.u32 $0x8, v6;
	_ =	sdelay $0x3  }
0x75: {  	[tilespmem:v55+s11+$0x0] =	vst.idx.add.f32.msk vm0, v8  }
0x76: {  	v57 =	vor.u32 $0x8, v7;
	v8 =	vld.idx.msk [tilespmem:v56+s9+$0x0], vm0  }
0x77: {  	v58 =	vor.u32 $0x9, v6;
	_ =	sdelay $0x3  }
0x78: {  	[tilespmem:v57+s11+$0x0] =	vst.idx.add.f32.msk vm0, v8  }
0x79: {  	v59 =	vor.u32 $0x9, v7;
	v8 =	vld.idx.msk [tilespmem:v58+s9+$0x0], vm0  }
0x7a: {  	v60 =	vor.u32 $0xA, v6;
	_ =	sdelay $0x3  }
0x7b: {  	[tilespmem:v59+s11+$0x0] =	vst.idx.add.f32.msk vm0, v8  }
0x7c: {  	v61 =	vor.u32 $0xA, v7;
	v8 =	vld.idx.msk [tilespmem:v60+s9+$0x0], vm0  }
0x7d: {  	v62 =	vor.u32 $0xB, v6;
	_ =	sdelay $0x3  }
0x7e: {  	[tilespmem:v61+s11+$0x0] =	vst.idx.add.f32.msk vm0, v8  }
0x7f: {  	v63 =	vor.u32 $0xB, v7;
	v8 =	vld.idx.msk [tilespmem:v62+s9+$0x0], vm0  }
0x80: {  	v6 =	vor.u32 $0xC, v6;
	_ =	sdelay $0x3  }
0x81: {  	p0 =	sne.s32 s18, $0x1;
	[tilespmem:v63+s11+$0x0] =	vst.idx.add.f32.msk vm0, v8  }
.Ltmp6:
0x82: {  	v7 =	vor.u32 $0xC, v7;
	v6 =	vld.idx.msk [tilespmem:v6+s9+$0x0], vm0;
	(pc) =	sbr.rel @!p0 .LBB2_7-.Ltmp6, $2  }
0x83: {  	_ =	sdelay $0x2  }
0x84: {  	s18 =	sadd.s32 $0xFFFFFFFF, s18  }
.LBB2_6:
0x85: {  	[tilespmem:v7+s11+$0x0] =	vst.idx.add.f32.msk vm0, v6;
	s15 =	sadd.s32 $0x10, s15;
	s16 =	sadd.s32 $0x10, s16;
	s17 =	sadd.s32 $0x10, s17  }
0x86: {  	p0 =	sne.s32 s18, $0x1;
	s18 =	sadd.s32 $0xFFFFFFFF, s18;
	v6 =	vld [tilespmem:s15+$0x0];
	_ =	sdelay $0x4  }
0x87: {  	v6 =	vsub.s32 v6, v2  }
0x88: {  	v7 =	vld [tilespmem:s16+$0x0];
	vm0 =	vgt.s32 v6, $0x0  }
0x89: {  	v8 =	vor.u32 s17, v4;
	v6 =	vnsel vm0, $0x0, v6  }
0x8a: {  	vm0 =	vlt.s32 v8, v5;
	v6 =	vmin.u32 v6, $0x3FF  }
0x8b: {  	v6 =	vshll.u32 v6, $0x4;
	_ =	sdelay $0x1  }
0x8c: {  	v7 =	vsub.s32 v7, v3  }
0x8d: {  	vm1 =	vgt.s32 v7, $0x0  }
0x8e: {  	v7 =	vnsel vm1, $0x0, v7  }
0x8f: {  	v7 =	vmin.u32 v7, $0x7FF;
	v8 =	vld.idx.msk [tilespmem:v6+s9+$0x0], vm0  }
0x90: {  	v7 =	vshll.u32 v7, $0x4  }
0x91: {  	v9 =	vor.u32 $0x1, v6;
	_ =	sdelay $0x3  }
0x92: {  	[tilespmem:v7+s11+$0x0] =	vst.idx.add.f32.msk vm0, v8  }
0x93: {  	v8 =	vld.idx.msk [tilespmem:v9+s9+$0x0], vm0  }
0x94: {  	v9 =	vor.u32 $0x1, v7  }
0x95: {  	v10 =	vor.u32 $0x2, v6;
	_ =	sdelay $0x3  }
0x96: {  	[tilespmem:v9+s11+$0x0] =	vst.idx.add.f32.msk vm0, v8  }
0x97: {  	v8 =	vld.idx.msk [tilespmem:v10+s9+$0x0], vm0  }
0x98: {  	v9 =	vor.u32 $0x2, v7  }
0x99: {  	v10 =	vor.u32 $0x3, v6;
	_ =	sdelay $0x3  }
0x9a: {  	[tilespmem:v9+s11+$0x0] =	vst.idx.add.f32.msk vm0, v8  }
0x9b: {  	v8 =	vld.idx.msk [tilespmem:v10+s9+$0x0], vm0  }
0x9c: {  	v9 =	vor.u32 $0x3, v7  }
0x9d: {  	v10 =	vor.u32 $0x4, v6;
	_ =	sdelay $0x3  }
0x9e: {  	[tilespmem:v9+s11+$0x0] =	vst.idx.add.f32.msk vm0, v8  }
0x9f: {  	v8 =	vld.idx.msk [tilespmem:v10+s9+$0x0], vm0  }
0xa0: {  	v9 =	vor.u32 $0x4, v7  }
0xa1: {  	v10 =	vor.u32 $0x5, v6;
	_ =	sdelay $0x3  }
0xa2: {  	[tilespmem:v9+s11+$0x0] =	vst.idx.add.f32.msk vm0, v8  }
0xa3: {  	v8 =	vld.idx.msk [tilespmem:v10+s9+$0x0], vm0  }
0xa4: {  	v9 =	vor.u32 $0x5, v7  }
0xa5: {  	v10 =	vor.u32 $0x6, v6;
	_ =	sdelay $0x3  }
0xa6: {  	[tilespmem:v9+s11+$0x0] =	vst.idx.add.f32.msk vm0, v8  }
0xa7: {  	v8 =	vld.idx.msk [tilespmem:v10+s9+$0x0], vm0  }
0xa8: {  	v9 =	vor.u32 $0x6, v7  }
0xa9: {  	v10 =	vor.u32 $0x7, v6;
	_ =	sdelay $0x3  }
0xaa: {  	[tilespmem:v9+s11+$0x0] =	vst.idx.add.f32.msk vm0, v8  }
0xab: {  	v8 =	vld.idx.msk [tilespmem:v10+s9+$0x0], vm0  }
0xac: {  	v9 =	vor.u32 $0x7, v7  }
0xad: {  	v10 =	vor.u32 $0x8, v6;
	_ =	sdelay $0x3  }
0xae: {  	[tilespmem:v9+s11+$0x0] =	vst.idx.add.f32.msk vm0, v8  }
0xaf: {  	v8 =	vld.idx.msk [tilespmem:v10+s9+$0x0], vm0  }
0xb0: {  	v9 =	vor.u32 $0x8, v7  }
0xb1: {  	v10 =	vor.u32 $0x9, v6;
	_ =	sdelay $0x3  }
0xb2: {  	[tilespmem:v9+s11+$0x0] =	vst.idx.add.f32.msk vm0, v8  }
0xb3: {  	v8 =	vld.idx.msk [tilespmem:v10+s9+$0x0], vm0  }
0xb4: {  	v9 =	vor.u32 $0x9, v7  }
0xb5: {  	v10 =	vor.u32 $0xA, v6;
	_ =	sdelay $0x3  }
0xb6: {  	[tilespmem:v9+s11+$0x0] =	vst.idx.add.f32.msk vm0, v8  }
0xb7: {  	v8 =	vld.idx.msk [tilespmem:v10+s9+$0x0], vm0  }
0xb8: {  	v9 =	vor.u32 $0xA, v7  }
0xb9: {  	v10 =	vor.u32 $0xB, v6;
	_ =	sdelay $0x3  }
0xba: {  	[tilespmem:v9+s11+$0x0] =	vst.idx.add.f32.msk vm0, v8  }
0xbb: {  	v8 =	vld.idx.msk [tilespmem:v10+s9+$0x0], vm0  }
0xbc: {  	v9 =	vor.u32 $0xB, v7  }
0xbd: {  	v6 =	vor.u32 $0xC, v6;
	_ =	sdelay $0x1  }
.Ltmp7:
0xbe: {  	(pc) =	sbr.rel @p0 .LBB2_6-.Ltmp7, $4  }
0xbf: {  	_ = 	snop  }
0xc0: {  	[tilespmem:v9+s11+$0x0] =	vst.idx.add.f32.msk vm0, v8  }
0xc1: {  	v6 =	vld.idx.msk [tilespmem:v6+s9+$0x0], vm0  }
0xc2: {  	v7 =	vor.u32 $0xC, v7  }
.Ltmp8:
0xc3: {  	_ = 	snop;
	(pc) =	sbr.rel .LBB2_7-.Ltmp8, $1  }
0xc4: {  	_ =	sdelay $0x3  }
.LBB2_10:
0xc5: {  	_ =	sfence.sel $0x180000  }
0xc6: {  	[bflag:$0x0] =	sbarrier.arrive $0xFFFF  }
0xc7: {  	p0 =	sne.s32 s0, $0x0;
	_ =	strace $0x90000047  }
0xc8: {  	s0 =	sadd.s32 @!p0 $0x100000, s1;
	[bflag:$0x2] =	sbarrier.arrive $0xFFFF  }
0xc9: {  	[sflag:s0] =	ssyncadd.tile.s32 @!p0 $0x1;
	_ =	shalt  }
.Lfunc_end2:
_tile_overlayer_lowered:
.L_overlay_start_2:
0xca: {  	(tag) =	ssettag $0x2  }
0xcb: {  	s0 =	rddreg [dreg:$0x0];
	s2 =	stileid.u32  }
0xcc: {  	s1 =	rddreg [dreg:$0x1];
	p0 =	sne.s32 s2, $0x0  }
0xcd: {  	s3 =	rddreg [dreg:$0x2];
	[bflag:$0x3] =	sbarrier.arrive $0xFFFF;
	s2 =	simm.s32 @!p0 $0x1C01  }
0xce: {  	[timem:s3], [sflag:s2] =	dma.local @!p0 [hbm:s0], s1  }
0xcf: {  	s0 =	simm.s32 @!p0 $0x1  }
0xd0: {  	_ =	swait.ge @!p0 [sflag:s0], s1  }
0xd1: {  	s1 =	ssub.s32 @!p0 $0x0, s1;
	[sflag:s0] =	ssyncset.done @!p0 $0x0  }
0xd2: {  	[sflag:s0] =	ssyncadd.s32 @!p0 s1  }
0xd3: {  	[bflag:$0x3] =	sbarrier.arrive $0xFFFF  }
0xd4: {  	_ =	shalt  }

</sc_bundles>
